<compile_context>
chip_gen: v7x
topology: tpu7x:2x2x1
jax: 0.10.2.dev20260603
libtpu: 0.0.44.dev20260713+nightly
codegen_flags: <defaults>
</compile_context>

<pallas_src>
import jax
import jax.numpy as jnp
from jax import lax
from jax.experimental import pallas as pl
from jax.experimental.pallas import tpu as pltpu
from jax.experimental.pallas import tpu_sc as plsc

B = 4096
F = 26
D = 16
NUM_ROWS = 2600000
BF = B * F
NC = 2
NS = 16
NW = NC * NS
PER_W = BF // NW
CHUNK = 128
NCHUNK = PER_W // CHUNK

BLK = 2048



def _sc_proj_body(idx_hbm, proj_hbm, pv_hbm, idx_v, pv_v, sem):
    wid = lax.axis_index("s") * NC + lax.axis_index("c")
    pltpu.sync_copy(idx_hbm.at[wid], idx_v)
    flat = proj_hbm.at[0]

    @pl.loop(0, NCHUNK)
    def _fire(j):
        pltpu.async_copy(flat.at[idx_v.at[j]], pv_v.at[j], sem)

    @pl.loop(0, NCHUNK)
    def _drain(j):
        pltpu.make_async_copy(flat.at[idx_v.at[j]], pv_v.at[j], sem).wait()

    pltpu.sync_copy(pv_v, pv_hbm.at[pl.ds(wid * NCHUNK, NCHUNK)])


def _sc_proj(idx3d, projT):
    mesh = plsc.VectorSubcoreMesh(core_axis_name="c", subcore_axis_name="s")
    k = pl.kernel(
        _sc_proj_body,
        out_type=jax.ShapeDtypeStruct((NW * NCHUNK, CHUNK), jnp.float32),
        mesh=mesh,
        compiler_params=pltpu.CompilerParams(use_tc_tiling_on_sc=False),
        scratch_types=[
            pltpu.VMEM((NCHUNK, CHUNK), jnp.int32),
            pltpu.VMEM((NCHUNK, CHUNK), jnp.float32),
            pltpu.SemaphoreType.DMA,
        ],
    )
    return k(idx3d, projT)



def _tc_body(vf_ref, pv_ref, w1_ref, b1_ref, w2_ref, b2_ref, w3_ref, b3_ref,
             w4_ref, scal_ref, out_ref):
    i = pl.program_id(0)
    parts = []
    for f in range(F):
        sl = vf_ref[:, pl.ds(f * B + i * BLK, BLK)]
        parts.append(jnp.transpose(sl))
    h = jnp.concatenate(parts, axis=1)
    pv = pv_ref[...]

    row = lax.broadcasted_iota(jnp.int32, (F * D, D), 0)
    col = lax.broadcasted_iota(jnp.int32, (F * D, D), 1)
    m = (row % D == col).astype(jnp.float32)
    s = jnp.dot(h, m, preferred_element_type=jnp.float32)
    fm_int = 0.5 * (jnp.sum(s * s, axis=1) - jnp.sum(h * h, axis=1))
    fm_lin = jnp.sum(pv, axis=1)
    fm_logit = (fm_lin + fm_int) * scal_ref[0] + scal_ref[1]

    bf = jnp.bfloat16
    h1 = jnp.maximum(
        jnp.dot(h.astype(bf), w1_ref[...].astype(bf),
                preferred_element_type=jnp.float32) + b1_ref[...], 0.0)
    h2 = jnp.maximum(
        jnp.dot(h1.astype(bf), w2_ref[...].astype(bf),
                preferred_element_type=jnp.float32) + b2_ref[...], 0.0)
    h3 = jnp.maximum(
        jnp.dot(h2.astype(bf), w3_ref[...].astype(bf),
                preferred_element_type=jnp.float32) + b3_ref[...], 0.0)
    mlp_logit = jnp.sum(h3 * w4_ref[...], axis=1) + scal_ref[2]

    out_ref[...] = jax.nn.sigmoid(fm_logit + mlp_logit)


def _tc_deepfm(vf, pv, w1t, b1, w2t, b2, w3t, b3, w4, scal):
    grid = (B // BLK,)
    full = lambda shape: pl.BlockSpec(shape, lambda i: (0, 0))
    return pl.pallas_call(
        _tc_body,
        grid=grid,
        in_specs=[
            pl.BlockSpec((D, B * F), lambda i: (0, 0)),
            pl.BlockSpec((BLK, F), lambda i: (i, 0)),
            full((F * D, 1024)),
            full((1, 1024)),
            full((1024, 512)),
            full((1, 512)),
            full((512, 256)),
            full((1, 256)),
            full((1, 256)),
            pl.BlockSpec(memory_space=pltpu.SMEM),
        ],
        out_specs=pl.BlockSpec((BLK,), lambda i: (i,)),
        out_shape=jax.ShapeDtypeStruct((B,), jnp.float32),
    )(vf, pv, w1t, b1, w2t, b2, w3t, b3, w4, scal)


def kernel(x, table, proj, fc_w, fc_b, W1, b1, W2, b2, W3, b3, W4, b4):
    idx3d = x.reshape(NW, NCHUNK, CHUNK)
    projT = proj.reshape(1, NUM_ROWS)
    pv = _sc_proj(idx3d, projT)
    pvb = pv.reshape(B, F)
    vf = jnp.take(table, x.T.reshape(-1), axis=0, mode="clip").T
    scal = jnp.concatenate([fc_w.reshape(-1), fc_b.reshape(-1),
                            b4.reshape(-1)])
    return _tc_deepfm(vf, pvb, W1.T, b1.reshape(1, -1), W2.T,
                      b2.reshape(1, -1), W3.T, b3.reshape(1, -1),
                      W4.reshape(1, -1), scal)

# --- scband reference (transcript-rebuilt; emitter-appended) ---
"""Pipeline reference for scband-deep-fm-8048768712713 (READ-ONLY COPY).

The authoritative reference and input builder live on the scoring server;
editing this copy changes nothing except your own understanding.
"""

import jax, jax.numpy as jnp
import numpy as np

B = 4096
F = 26
D = 16
NUM_INPUTS = 2600000
EMBED_OUT = F * D  # 416
MLP_DIMS = [1024, 512, 256]


def setup_inputs(seed: int = 0) -> dict:
    key = jax.random.key(seed)
    ks = jax.random.split(key, 16)
    x = jax.random.randint(ks[0], (B, F), 0, NUM_INPUTS, dtype=jnp.int32)
    table = jax.random.normal(ks[1], (NUM_INPUTS, D), dtype=jnp.float32) * 0.02
    proj = jax.random.normal(ks[2], (NUM_INPUTS, 1), dtype=jnp.float32) * 0.02
    fc_w = jax.random.normal(ks[3], (1, 1), dtype=jnp.float32)
    fc_b = jnp.zeros((1,), dtype=jnp.float32)
    W1 = jax.random.normal(ks[4], (MLP_DIMS[0], EMBED_OUT), dtype=jnp.float32) * (1.0 / np.sqrt(EMBED_OUT))
    b1 = jnp.zeros((MLP_DIMS[0],), dtype=jnp.float32)
    W2 = jax.random.normal(ks[5], (MLP_DIMS[1], MLP_DIMS[0]), dtype=jnp.float32) * (1.0 / np.sqrt(MLP_DIMS[0]))
    b2 = jnp.zeros((MLP_DIMS[1],), dtype=jnp.float32)
    W3 = jax.random.normal(ks[6], (MLP_DIMS[2], MLP_DIMS[1]), dtype=jnp.float32) * (1.0 / np.sqrt(MLP_DIMS[1]))
    b3 = jnp.zeros((MLP_DIMS[2],), dtype=jnp.float32)
    W4 = jax.random.normal(ks[7], (1, MLP_DIMS[2]), dtype=jnp.float32) * (1.0 / np.sqrt(MLP_DIMS[2]))
    b4 = jnp.zeros((1,), dtype=jnp.float32)
    return {"x": x, "table": table, "proj": proj, "fc_w": fc_w, "fc_b": fc_b,
            "W1": W1, "b1": b1, "W2": W2, "b2": b2, "W3": W3, "b3": b3, "W4": W4, "b4": b4}


def reference(x, table, proj, fc_w, fc_b, W1, b1, W2, b2, W3, b3, W4, b4):
    # embedding gather: [B, F, D]
    v = jnp.take(table, x, axis=0)
    # FM second-order interaction
    s = v.sum(axis=1)  # [B, D]
    fm_interaction = 0.5 * ((s ** 2 - (v ** 2).sum(axis=1)).sum(axis=-1, keepdims=True))  # [B, 1]
    # FM first-order (linear) term
    fm_proj = jnp.take(proj, x, axis=0).sum(axis=1)  # [B, 1]
    fm_logit = ((fm_proj + fm_interaction) @ fc_w.T + fc_b).reshape(-1)  # [B]
    # Deep part (dropout is identity at inference)
    h = v.reshape(v.shape[0], -1)  # [B, F*D]
    h = jax.nn.relu(h @ W1.T + b1)
    h = jax.nn.relu(h @ W2.T + b2)
    h = jax.nn.relu(h @ W3.T + b3)
    mlp_logit = (h @ W4.T + b4).reshape(-1)  # [B]
    logit = fm_logit + mlp_logit
    return jax.nn.sigmoid(logit)

if __name__ == "__main__":
    import jax
    _d = setup_inputs()
    print(jax.jit(kernel)(*tuple(_d.values())))

</pallas_src>

<mosaic_0001>
#map = affine_map<(d0, d1) -> (0, 0, 0)>
#map1 = affine_map<(d0, d1) -> (0, 0)>
module attributes {stable_mosaic.version = 14 : i64} {
  func.func @_sc_proj_body(%arg0: i32, %arg1: i32, %arg2: memref<32x26x128xi32, #tpu.memory_space<hbm>>, %arg3: memref<1x2600000xf32, #tpu.memory_space<hbm>>, %arg4: memref<832x128xf32, #tpu.memory_space<hbm>>, %arg5: memref<26x128xi32, #tpu.memory_space<vmem>>, %arg6: memref<26x128xf32, #tpu.memory_space<vmem>>, %arg7: memref<!tpu.dma_semaphore, #tpu.memory_space<semaphore_mem>>) attributes {dimension_semantics = [#tpu.dimension_semantics<core_parallel>, #tpu.dimension_semantics<subcore_parallel>], iteration_bounds = array<i64: 2, 16>, scalar_prefetch = 0 : i64, scratch_operands = 3 : i64, tpu.core_type = #tpu.core_type<sc_vector_subcore>, window_params = [{transform_indices = #map}, {transform_indices = #map1}, {transform_indices = #map1}]} {
    %mul3A = arith.constant 2 : i32
    %mul3A_0 = arith.muli %arg1, %mul3A : i32
    %add3A = arith.addi %mul3A_0, %arg0 : i32
    "tpu.region"() ({
      %run_scoped3A = tpu.sem_alloc : memref<!tpu.dma_semaphore, #tpu.memory_space<semaphore_mem>>
      %dma_start3A = arith.constant 0 : i32
      %dma_start3A_14 = arith.constant 0 : i32
      %dma_start3A_15 = tpu.memref_slice %arg2[%add3A, %dma_start3A, %dma_start3A_14] : memref<32x26x128xi32, #tpu.memory_space<hbm>> -> memref<1x26x128xi32, #tpu.memory_space<hbm>>
      %dma_start3A_16 = tpu.memref_squeeze %dma_start3A_15 : memref<1x26x128xi32, #tpu.memory_space<hbm>> -> memref<26x128xi32, #tpu.memory_space<hbm>>
      %dma_start3A_17 = arith.constant 0 : i32
      %dma_start3A_18 = arith.constant 0 : i32
      %dma_start3A_19 = tpu.memref_slice %arg2[%add3A, %dma_start3A_17, %dma_start3A_18] : memref<32x26x128xi32, #tpu.memory_space<hbm>> -> memref<1x26x128xi32, #tpu.memory_space<hbm>>
      %dma_start3A_20 = tpu.memref_squeeze %dma_start3A_19 : memref<1x26x128xi32, #tpu.memory_space<hbm>> -> memref<26x128xi32, #tpu.memory_space<hbm>>
      tpu.enqueue_dma source(%dma_start3A_20 : memref<26x128xi32, #tpu.memory_space<hbm>>) target(%arg5 : memref<26x128xi32, #tpu.memory_space<vmem>>) target_semaphore(%run_scoped3A : memref<!tpu.dma_semaphore, #tpu.memory_space<semaphore_mem>>)
      %dma_wait3A = arith.constant 0 : i32
      %dma_wait3A_21 = arith.constant 0 : i32
      %dma_wait3A_22 = tpu.memref_slice %arg2[%add3A, %dma_wait3A, %dma_wait3A_21] : memref<32x26x128xi32, #tpu.memory_space<hbm>> -> memref<1x26x128xi32, #tpu.memory_space<hbm>>
      %dma_wait3A_23 = tpu.memref_squeeze %dma_wait3A_22 : memref<1x26x128xi32, #tpu.memory_space<hbm>> -> memref<26x128xi32, #tpu.memory_space<hbm>>
      %dma_wait3A_24 = arith.constant 0 : i32
      %dma_wait3A_25 = arith.constant 0 : i32
      %dma_wait3A_26 = tpu.memref_slice %arg2[%add3A, %dma_wait3A_24, %dma_wait3A_25] : memref<32x26x128xi32, #tpu.memory_space<hbm>> -> memref<1x26x128xi32, #tpu.memory_space<hbm>>
      %dma_wait3A_27 = tpu.memref_squeeze %dma_wait3A_26 : memref<1x26x128xi32, #tpu.memory_space<hbm>> -> memref<26x128xi32, #tpu.memory_space<hbm>>
      tpu.wait_dma2 semaphore(%run_scoped3A : memref<!tpu.dma_semaphore, #tpu.memory_space<semaphore_mem>>) src(%dma_wait3A_27 : memref<26x128xi32, #tpu.memory_space<hbm>>) dst(%arg5 : memref<26x128xi32, #tpu.memory_space<vmem>>)
      tpu.yield
    }) : () -> ()
    %scan3A = arith.constant 0 : i32
    %scan3A_1 = arith.constant 0 : i32
    %scan3A_2 = arith.constant 26 : i32
    %scan3A_3 = arith.addi %scan3A_1, %scan3A_2 : i32
    %scan3A_4 = arith.constant 1 : i32
    scf.for %scan3A_14 = %scan3A_1 to %scan3A_3 step %scan3A_4  : i32 {
      %mul3A_15 = arith.constant 1 : i32
      %mul3A_16 = arith.muli %scan3A_14, %mul3A_15 : i32
      %add3A_17 = arith.constant 0 : i32
      %add3A_18 = arith.addi %add3A_17, %mul3A_16 : i32
      %dma_start3A = arith.constant 0 : i32
      %dma_start3A_19 = tpu.memref_slice %arg6[%add3A_18, %dma_start3A] : memref<26x128xf32, #tpu.memory_space<vmem>> -> memref<1x128xf32, #tpu.memory_space<vmem>>
      %dma_start3A_20 = tpu.memref_squeeze %dma_start3A_19 : memref<1x128xf32, #tpu.memory_space<vmem>> -> memref<128xf32, #tpu.memory_space<vmem>>
      %dma_start3A_21 = arith.constant 0 : i32
      %dma_start3A_22 = tpu.memref_slice %arg5[%add3A_18, %dma_start3A_21] : memref<26x128xi32, #tpu.memory_space<vmem>> -> memref<1x128xi32, #tpu.memory_space<vmem>>
      %dma_start3A_23 = tpu.memref_squeeze %dma_start3A_22 : memref<1x128xi32, #tpu.memory_space<vmem>> -> memref<128xi32, #tpu.memory_space<vmem>>
      %dma_start3A_24 = arith.constant 0 : i32
      %dma_start3A_25 = tpu.memref_slice %arg3[%scan3A, %dma_start3A_24] : memref<1x2600000xf32, #tpu.memory_space<hbm>> -> memref<1x2600000xf32, #tpu.memory_space<hbm>>
      %dma_start3A_26 = tpu.memref_squeeze %dma_start3A_25 : memref<1x2600000xf32, #tpu.memory_space<hbm>> -> memref<2600000xf32, #tpu.memory_space<hbm>>
      %dma_start3A_27 = arith.constant 0 : i32
      %dma_start3A_28 = tpu.memref_slice %dma_start3A_26[%dma_start3A_27] : memref<2600000xf32, #tpu.memory_space<hbm>> -> memref<2600000xf32, #tpu.memory_space<hbm>>
      tpu.enqueue_indirect_dma source(%dma_start3A_28 : memref<2600000xf32, #tpu.memory_space<hbm>>) target(%dma_start3A_20 : memref<128xf32, #tpu.memory_space<vmem>>) offsets(%dma_start3A_23 : memref<128xi32, #tpu.memory_space<vmem>>) semaphore(%arg7 : memref<!tpu.dma_semaphore, #tpu.memory_space<semaphore_mem>>)
    }
    %scan3A_5 = arith.constant 26 : i32
    %scan3A_6 = arith.constant 0 : i32
    %scan3A_7 = arith.constant 0 : i32
    %scan3A_8 = arith.constant 26 : i32
    %scan3A_9 = arith.addi %scan3A_7, %scan3A_8 : i32
    %scan3A_10 = arith.constant 1 : i32
    scf.for %scan3A_14 = %scan3A_7 to %scan3A_9 step %scan3A_10  : i32 {
      %mul3A_15 = arith.constant 1 : i32
      %mul3A_16 = arith.muli %scan3A_14, %mul3A_15 : i32
      %add3A_17 = arith.constant 0 : i32
      %add3A_18 = arith.addi %add3A_17, %mul3A_16 : i32
      %dma_wait3A = arith.constant 0 : i32
      %dma_wait3A_19 = tpu.memref_slice %arg6[%add3A_18, %dma_wait3A] : memref<26x128xf32, #tpu.memory_space<vmem>> -> memref<1x128xf32, #tpu.memory_space<vmem>>
      %dma_wait3A_20 = tpu.memref_squeeze %dma_wait3A_19 : memref<1x128xf32, #tpu.memory_space<vmem>> -> memref<128xf32, #tpu.memory_space<vmem>>
      %dma_wait3A_21 = arith.constant 0 : i32
      %dma_wait3A_22 = tpu.memref_slice %arg5[%add3A_18, %dma_wait3A_21] : memref<26x128xi32, #tpu.memory_space<vmem>> -> memref<1x128xi32, #tpu.memory_space<vmem>>
      %dma_wait3A_23 = tpu.memref_squeeze %dma_wait3A_22 : memref<1x128xi32, #tpu.memory_space<vmem>> -> memref<128xi32, #tpu.memory_space<vmem>>
      %dma_wait3A_24 = arith.constant 0 : i32
      %dma_wait3A_25 = tpu.memref_slice %arg3[%scan3A_6, %dma_wait3A_24] : memref<1x2600000xf32, #tpu.memory_space<hbm>> -> memref<1x2600000xf32, #tpu.memory_space<hbm>>
      %dma_wait3A_26 = tpu.memref_squeeze %dma_wait3A_25 : memref<1x2600000xf32, #tpu.memory_space<hbm>> -> memref<2600000xf32, #tpu.memory_space<hbm>>
      %dma_wait3A_27 = arith.constant 0 : i32
      %dma_wait3A_28 = tpu.memref_slice %dma_wait3A_26[%dma_wait3A_27] : memref<2600000xf32, #tpu.memory_space<hbm>> -> memref<2600000xf32, #tpu.memory_space<hbm>>
      tpu.wait_indirect_dma semaphore(%arg7 : memref<!tpu.dma_semaphore, #tpu.memory_space<semaphore_mem>>) src(%dma_wait3A_28 : memref<2600000xf32, #tpu.memory_space<hbm>>) dst(%dma_wait3A_20 : memref<128xf32, #tpu.memory_space<vmem>>)
    }
    %scan3A_11 = arith.constant 26 : i32
    %mul3A_12 = arith.constant 26 : i32
    %mul3A_13 = arith.muli %add3A, %mul3A_12 : i32
    "tpu.region"() ({
      %run_scoped3A = tpu.sem_alloc : memref<!tpu.dma_semaphore, #tpu.memory_space<semaphore_mem>>
      %dma_start3A = arith.constant 0 : i32
      %dma_start3A_14 = tpu.memref_slice %arg4[%mul3A_13, %dma_start3A] : memref<832x128xf32, #tpu.memory_space<hbm>> -> memref<26x128xf32, #tpu.memory_space<hbm>>
      %dma_start3A_15 = arith.constant 0 : i32
      %dma_start3A_16 = tpu.memref_slice %arg4[%mul3A_13, %dma_start3A_15] : memref<832x128xf32, #tpu.memory_space<hbm>> -> memref<26x128xf32, #tpu.memory_space<hbm>>
      tpu.enqueue_dma source(%arg6 : memref<26x128xf32, #tpu.memory_space<vmem>>) target(%dma_start3A_16 : memref<26x128xf32, #tpu.memory_space<hbm>>) target_semaphore(%run_scoped3A : memref<!tpu.dma_semaphore, #tpu.memory_space<semaphore_mem>>)
      %dma_wait3A = arith.constant 0 : i32
      %dma_wait3A_17 = tpu.memref_slice %arg4[%mul3A_13, %dma_wait3A] : memref<832x128xf32, #tpu.memory_space<hbm>> -> memref<26x128xf32, #tpu.memory_space<hbm>>
      %dma_wait3A_18 = arith.constant 0 : i32
      %dma_wait3A_19 = tpu.memref_slice %arg4[%mul3A_13, %dma_wait3A_18] : memref<832x128xf32, #tpu.memory_space<hbm>> -> memref<26x128xf32, #tpu.memory_space<hbm>>
      tpu.wait_dma2 semaphore(%run_scoped3A : memref<!tpu.dma_semaphore, #tpu.memory_space<semaphore_mem>>) src(%arg6 : memref<26x128xf32, #tpu.memory_space<vmem>>) dst(%dma_wait3A_19 : memref<26x128xf32, #tpu.memory_space<hbm>>)
      tpu.yield
    }) : () -> ()
    return
  }
}

module attributes {stable_mosaic.version = 14 : i64} {
  func.func @_tc_body(%arg0: i32, %arg1: memref<16x106496xf32, #tpu.memory_space<vmem>>, %arg2: memref<2048x26xf32, #tpu.memory_space<vmem>>, %arg3: memref<416x1024xf32, #tpu.memory_space<vmem>>, %arg4: memref<1x1024xf32, #tpu.memory_space<vmem>>, %arg5: memref<1024x512xf32, #tpu.memory_space<vmem>>, %arg6: memref<1x512xf32, #tpu.memory_space<vmem>>, %arg7: memref<512x256xf32, #tpu.memory_space<vmem>>, %arg8: memref<1x256xf32, #tpu.memory_space<vmem>>, %arg9: memref<1x256xf32, #tpu.memory_space<vmem>>, %arg10: memref<3xf32, #tpu.memory_space<smem>>, %arg11: memref<2048xf32, #tpu.memory_space<vmem>>) attributes {dimension_semantics = [#tpu.dimension_semantics<arbitrary>], iteration_bounds = array<i64: 2>, scalar_prefetch = 0 : i64, scratch_operands = 0 : i64, tpu.core_type = #tpu.core_type<tc>, window_params = [{pipeline_mode = #tpu.pipeline_mode<synchronous>, transform_indices = @transform_0, window_bounds = array<i64: 16, 106496>}, {transform_indices = @transform_1, window_bounds = array<i64: 2048, 26>}, {pipeline_mode = #tpu.pipeline_mode<synchronous>, transform_indices = @transform_2, window_bounds = array<i64: 416, 1024>}, {pipeline_mode = #tpu.pipeline_mode<synchronous>, transform_indices = @transform_3, window_bounds = array<i64: 1, 1024>}, {pipeline_mode = #tpu.pipeline_mode<synchronous>, transform_indices = @transform_4, window_bounds = array<i64: 1024, 512>}, {pipeline_mode = #tpu.pipeline_mode<synchronous>, transform_indices = @transform_5, window_bounds = array<i64: 1, 512>}, {pipeline_mode = #tpu.pipeline_mode<synchronous>, transform_indices = @transform_6, window_bounds = array<i64: 512, 256>}, {pipeline_mode = #tpu.pipeline_mode<synchronous>, transform_indices = @transform_7, window_bounds = array<i64: 1, 256>}, {pipeline_mode = #tpu.pipeline_mode<synchronous>, transform_indices = @transform_8, window_bounds = array<i64: 1, 256>}, {transform_indices = @transform_9, window_bounds = array<i64: 3>}, {transform_indices = @transform_10, window_bounds = array<i64: 2048>}]} {
    %mul3A = arith.constant 2048 : i32
    %mul3A_0 = arith.muli %arg0, %mul3A : i32
    %add3A = arith.constant 0 : i32
    %add3A_1 = arith.addi %add3A, %mul3A_0 : i32
    %get3A = arith.constant 0 : index
    %get3A_2 = arith.index_cast %add3A_1 : i32 to index
    %get3A_3 = vector.load %arg1[%get3A, %get3A_2] : memref<16x106496xf32, #tpu.memory_space<vmem>>, vector<16x2048xf32>
    %transpose3A = tpu.transpose %get3A_3, [1, 0] : vector<16x2048xf32> -> vector<2048x16xf32>
    %mul3A_4 = arith.constant 2048 : i32
    %mul3A_5 = arith.muli %arg0, %mul3A_4 : i32
    %add3A_6 = arith.constant 4096 : i32
    %add3A_7 = arith.addi %add3A_6, %mul3A_5 : i32
    %get3A_8 = arith.constant 0 : index
    %get3A_9 = arith.index_cast %add3A_7 : i32 to index
    %get3A_10 = vector.load %arg1[%get3A_8, %get3A_9] : memref<16x106496xf32, #tpu.memory_space<vmem>>, vector<16x2048xf32>
    %transpose3A_11 = tpu.transpose %get3A_10, [1, 0] : vector<16x2048xf32> -> vector<2048x16xf32>
    %mul3A_12 = arith.constant 2048 : i32
    %mul3A_13 = arith.muli %arg0, %mul3A_12 : i32
    %add3A_14 = arith.constant 8192 : i32
    %add3A_15 = arith.addi %add3A_14, %mul3A_13 : i32
    %get3A_16 = arith.constant 0 : index
    %get3A_17 = arith.index_cast %add3A_15 : i32 to index
    %get3A_18 = vector.load %arg1[%get3A_16, %get3A_17] : memref<16x106496xf32, #tpu.memory_space<vmem>>, vector<16x2048xf32>
    %transpose3A_19 = tpu.transpose %get3A_18, [1, 0] : vector<16x2048xf32> -> vector<2048x16xf32>
    %mul3A_20 = arith.constant 2048 : i32
    %mul3A_21 = arith.muli %arg0, %mul3A_20 : i32
    %add3A_22 = arith.constant 12288 : i32
    %add3A_23 = arith.addi %add3A_22, %mul3A_21 : i32
    %get3A_24 = arith.constant 0 : index
    %get3A_25 = arith.index_cast %add3A_23 : i32 to index
    %get3A_26 = vector.load %arg1[%get3A_24, %get3A_25] : memref<16x106496xf32, #tpu.memory_space<vmem>>, vector<16x2048xf32>
    %transpose3A_27 = tpu.transpose %get3A_26, [1, 0] : vector<16x2048xf32> -> vector<2048x16xf32>
    %mul3A_28 = arith.constant 2048 : i32
    %mul3A_29 = arith.muli %arg0, %mul3A_28 : i32
    %add3A_30 = arith.constant 16384 : i32
    %add3A_31 = arith.addi %add3A_30, %mul3A_29 : i32
    %get3A_32 = arith.constant 0 : index
    %get3A_33 = arith.index_cast %add3A_31 : i32 to index
    %get3A_34 = vector.load %arg1[%get3A_32, %get3A_33] : memref<16x106496xf32, #tpu.memory_space<vmem>>, vector<16x2048xf32>
    %transpose3A_35 = tpu.transpose %get3A_34, [1, 0] : vector<16x2048xf32> -> vector<2048x16xf32>
    %mul3A_36 = arith.constant 2048 : i32
    %mul3A_37 = arith.muli %arg0, %mul3A_36 : i32
    %add3A_38 = arith.constant 20480 : i32
    %add3A_39 = arith.addi %add3A_38, %mul3A_37 : i32
    %get3A_40 = arith.constant 0 : index
    %get3A_41 = arith.index_cast %add3A_39 : i32 to index
    %get3A_42 = vector.load %arg1[%get3A_40, %get3A_41] : memref<16x106496xf32, #tpu.memory_space<vmem>>, vector<16x2048xf32>
    %transpose3A_43 = tpu.transpose %get3A_42, [1, 0] : vector<16x2048xf32> -> vector<2048x16xf32>
    %mul3A_44 = arith.constant 2048 : i32
    %mul3A_45 = arith.muli %arg0, %mul3A_44 : i32
    %add3A_46 = arith.constant 24576 : i32
    %add3A_47 = arith.addi %add3A_46, %mul3A_45 : i32
    %get3A_48 = arith.constant 0 : index
    %get3A_49 = arith.index_cast %add3A_47 : i32 to index
    %get3A_50 = vector.load %arg1[%get3A_48, %get3A_49] : memref<16x106496xf32, #tpu.memory_space<vmem>>, vector<16x2048xf32>
    %transpose3A_51 = tpu.transpose %get3A_50, [1, 0] : vector<16x2048xf32> -> vector<2048x16xf32>
    %mul3A_52 = arith.constant 2048 : i32
    %mul3A_53 = arith.muli %arg0, %mul3A_52 : i32
    %add3A_54 = arith.constant 28672 : i32
    %add3A_55 = arith.addi %add3A_54, %mul3A_53 : i32
    %get3A_56 = arith.constant 0 : index
    %get3A_57 = arith.index_cast %add3A_55 : i32 to index
    %get3A_58 = vector.load %arg1[%get3A_56, %get3A_57] : memref<16x106496xf32, #tpu.memory_space<vmem>>, vector<16x2048xf32>
    %transpose3A_59 = tpu.transpose %get3A_58, [1, 0] : vector<16x2048xf32> -> vector<2048x16xf32>
    %mul3A_60 = arith.constant 2048 : i32
    %mul3A_61 = arith.muli %arg0, %mul3A_60 : i32
    %add3A_62 = arith.constant 32768 : i32
    %add3A_63 = arith.addi %add3A_62, %mul3A_61 : i32
    %get3A_64 = arith.constant 0 : index
    %get3A_65 = arith.index_cast %add3A_63 : i32 to index
    %get3A_66 = vector.load %arg1[%get3A_64, %get3A_65] : memref<16x106496xf32, #tpu.memory_space<vmem>>, vector<16x2048xf32>
    %transpose3A_67 = tpu.transpose %get3A_66, [1, 0] : vector<16x2048xf32> -> vector<2048x16xf32>
    %mul3A_68 = arith.constant 2048 : i32
    %mul3A_69 = arith.muli %arg0, %mul3A_68 : i32
    %add3A_70 = arith.constant 36864 : i32
    %add3A_71 = arith.addi %add3A_70, %mul3A_69 : i32
    %get3A_72 = arith.constant 0 : index
    %get3A_73 = arith.index_cast %add3A_71 : i32 to index
    %get3A_74 = vector.load %arg1[%get3A_72, %get3A_73] : memref<16x106496xf32, #tpu.memory_space<vmem>>, vector<16x2048xf32>
    %transpose3A_75 = tpu.transpose %get3A_74, [1, 0] : vector<16x2048xf32> -> vector<2048x16xf32>
    %mul3A_76 = arith.constant 2048 : i32
    %mul3A_77 = arith.muli %arg0, %mul3A_76 : i32
    %add3A_78 = arith.constant 40960 : i32
    %add3A_79 = arith.addi %add3A_78, %mul3A_77 : i32
    %get3A_80 = arith.constant 0 : index
    %get3A_81 = arith.index_cast %add3A_79 : i32 to index
    %get3A_82 = vector.load %arg1[%get3A_80, %get3A_81] : memref<16x106496xf32, #tpu.memory_space<vmem>>, vector<16x2048xf32>
    %transpose3A_83 = tpu.transpose %get3A_82, [1, 0] : vector<16x2048xf32> -> vector<2048x16xf32>
    %mul3A_84 = arith.constant 2048 : i32
    %mul3A_85 = arith.muli %arg0, %mul3A_84 : i32
    %add3A_86 = arith.constant 45056 : i32
    %add3A_87 = arith.addi %add3A_86, %mul3A_85 : i32
    %get3A_88 = arith.constant 0 : index
    %get3A_89 = arith.index_cast %add3A_87 : i32 to index
    %get3A_90 = vector.load %arg1[%get3A_88, %get3A_89] : memref<16x106496xf32, #tpu.memory_space<vmem>>, vector<16x2048xf32>
    %transpose3A_91 = tpu.transpose %get3A_90, [1, 0] : vector<16x2048xf32> -> vector<2048x16xf32>
    %mul3A_92 = arith.constant 2048 : i32
    %mul3A_93 = arith.muli %arg0, %mul3A_92 : i32
    %add3A_94 = arith.constant 49152 : i32
    %add3A_95 = arith.addi %add3A_94, %mul3A_93 : i32
    %get3A_96 = arith.constant 0 : index
    %get3A_97 = arith.index_cast %add3A_95 : i32 to index
    %get3A_98 = vector.load %arg1[%get3A_96, %get3A_97] : memref<16x106496xf32, #tpu.memory_space<vmem>>, vector<16x2048xf32>
    %transpose3A_99 = tpu.transpose %get3A_98, [1, 0] : vector<16x2048xf32> -> vector<2048x16xf32>
    %mul3A_100 = arith.constant 2048 : i32
    %mul3A_101 = arith.muli %arg0, %mul3A_100 : i32
    %add3A_102 = arith.constant 53248 : i32
    %add3A_103 = arith.addi %add3A_102, %mul3A_101 : i32
    %get3A_104 = arith.constant 0 : index
    %get3A_105 = arith.index_cast %add3A_103 : i32 to index
    %get3A_106 = vector.load %arg1[%get3A_104, %get3A_105] : memref<16x106496xf32, #tpu.memory_space<vmem>>, vector<16x2048xf32>
    %transpose3A_107 = tpu.transpose %get3A_106, [1, 0] : vector<16x2048xf32> -> vector<2048x16xf32>
    %mul3A_108 = arith.constant 2048 : i32
    %mul3A_109 = arith.muli %arg0, %mul3A_108 : i32
    %add3A_110 = arith.constant 57344 : i32
    %add3A_111 = arith.addi %add3A_110, %mul3A_109 : i32
    %get3A_112 = arith.constant 0 : index
    %get3A_113 = arith.index_cast %add3A_111 : i32 to index
    %get3A_114 = vector.load %arg1[%get3A_112, %get3A_113] : memref<16x106496xf32, #tpu.memory_space<vmem>>, vector<16x2048xf32>
    %transpose3A_115 = tpu.transpose %get3A_114, [1, 0] : vector<16x2048xf32> -> vector<2048x16xf32>
    %mul3A_116 = arith.constant 2048 : i32
    %mul3A_117 = arith.muli %arg0, %mul3A_116 : i32
    %add3A_118 = arith.constant 61440 : i32
    %add3A_119 = arith.addi %add3A_118, %mul3A_117 : i32
    %get3A_120 = arith.constant 0 : index
    %get3A_121 = arith.index_cast %add3A_119 : i32 to index
    %get3A_122 = vector.load %arg1[%get3A_120, %get3A_121] : memref<16x106496xf32, #tpu.memory_space<vmem>>, vector<16x2048xf32>
    %transpose3A_123 = tpu.transpose %get3A_122, [1, 0] : vector<16x2048xf32> -> vector<2048x16xf32>
    %mul3A_124 = arith.constant 2048 : i32
    %mul3A_125 = arith.muli %arg0, %mul3A_124 : i32
    %add3A_126 = arith.constant 65536 : i32
    %add3A_127 = arith.addi %add3A_126, %mul3A_125 : i32
    %get3A_128 = arith.constant 0 : index
    %get3A_129 = arith.index_cast %add3A_127 : i32 to index
    %get3A_130 = vector.load %arg1[%get3A_128, %get3A_129] : memref<16x106496xf32, #tpu.memory_space<vmem>>, vector<16x2048xf32>
    %transpose3A_131 = tpu.transpose %get3A_130, [1, 0] : vector<16x2048xf32> -> vector<2048x16xf32>
    %mul3A_132 = arith.constant 2048 : i32
    %mul3A_133 = arith.muli %arg0, %mul3A_132 : i32
    %add3A_134 = arith.constant 69632 : i32
    %add3A_135 = arith.addi %add3A_134, %mul3A_133 : i32
    %get3A_136 = arith.constant 0 : index
    %get3A_137 = arith.index_cast %add3A_135 : i32 to index
    %get3A_138 = vector.load %arg1[%get3A_136, %get3A_137] : memref<16x106496xf32, #tpu.memory_space<vmem>>, vector<16x2048xf32>
    %transpose3A_139 = tpu.transpose %get3A_138, [1, 0] : vector<16x2048xf32> -> vector<2048x16xf32>
    %mul3A_140 = arith.constant 2048 : i32
    %mul3A_141 = arith.muli %arg0, %mul3A_140 : i32
    %add3A_142 = arith.constant 73728 : i32
    %add3A_143 = arith.addi %add3A_142, %mul3A_141 : i32
    %get3A_144 = arith.constant 0 : index
    %get3A_145 = arith.index_cast %add3A_143 : i32 to index
    %get3A_146 = vector.load %arg1[%get3A_144, %get3A_145] : memref<16x106496xf32, #tpu.memory_space<vmem>>, vector<16x2048xf32>
    %transpose3A_147 = tpu.transpose %get3A_146, [1, 0] : vector<16x2048xf32> -> vector<2048x16xf32>
    %mul3A_148 = arith.constant 2048 : i32
    %mul3A_149 = arith.muli %arg0, %mul3A_148 : i32
    %add3A_150 = arith.constant 77824 : i32
    %add3A_151 = arith.addi %add3A_150, %mul3A_149 : i32
    %get3A_152 = arith.constant 0 : index
    %get3A_153 = arith.index_cast %add3A_151 : i32 to index
    %get3A_154 = vector.load %arg1[%get3A_152, %get3A_153] : memref<16x106496xf32, #tpu.memory_space<vmem>>, vector<16x2048xf32>
    %transpose3A_155 = tpu.transpose %get3A_154, [1, 0] : vector<16x2048xf32> -> vector<2048x16xf32>
    %mul3A_156 = arith.constant 2048 : i32
    %mul3A_157 = arith.muli %arg0, %mul3A_156 : i32
    %add3A_158 = arith.constant 81920 : i32
    %add3A_159 = arith.addi %add3A_158, %mul3A_157 : i32
    %get3A_160 = arith.constant 0 : index
    %get3A_161 = arith.index_cast %add3A_159 : i32 to index
    %get3A_162 = vector.load %arg1[%get3A_160, %get3A_161] : memref<16x106496xf32, #tpu.memory_space<vmem>>, vector<16x2048xf32>
    %transpose3A_163 = tpu.transpose %get3A_162, [1, 0] : vector<16x2048xf32> -> vector<2048x16xf32>
    %mul3A_164 = arith.constant 2048 : i32
    %mul3A_165 = arith.muli %arg0, %mul3A_164 : i32
    %add3A_166 = arith.constant 86016 : i32
    %add3A_167 = arith.addi %add3A_166, %mul3A_165 : i32
    %get3A_168 = arith.constant 0 : index
    %get3A_169 = arith.index_cast %add3A_167 : i32 to index
    %get3A_170 = vector.load %arg1[%get3A_168, %get3A_169] : memref<16x106496xf32, #tpu.memory_space<vmem>>, vector<16x2048xf32>
    %transpose3A_171 = tpu.transpose %get3A_170, [1, 0] : vector<16x2048xf32> -> vector<2048x16xf32>
    %mul3A_172 = arith.constant 2048 : i32
    %mul3A_173 = arith.muli %arg0, %mul3A_172 : i32
    %add3A_174 = arith.constant 90112 : i32
    %add3A_175 = arith.addi %add3A_174, %mul3A_173 : i32
    %get3A_176 = arith.constant 0 : index
    %get3A_177 = arith.index_cast %add3A_175 : i32 to index
    %get3A_178 = vector.load %arg1[%get3A_176, %get3A_177] : memref<16x106496xf32, #tpu.memory_space<vmem>>, vector<16x2048xf32>
    %transpose3A_179 = tpu.transpose %get3A_178, [1, 0] : vector<16x2048xf32> -> vector<2048x16xf32>
    %mul3A_180 = arith.constant 2048 : i32
    %mul3A_181 = arith.muli %arg0, %mul3A_180 : i32
    %add3A_182 = arith.constant 94208 : i32
    %add3A_183 = arith.addi %add3A_182, %mul3A_181 : i32
    %get3A_184 = arith.constant 0 : index
    %get3A_185 = arith.index_cast %add3A_183 : i32 to index
    %get3A_186 = vector.load %arg1[%get3A_184, %get3A_185] : memref<16x106496xf32, #tpu.memory_space<vmem>>, vector<16x2048xf32>
    %transpose3A_187 = tpu.transpose %get3A_186, [1, 0] : vector<16x2048xf32> -> vector<2048x16xf32>
    %mul3A_188 = arith.constant 2048 : i32
    %mul3A_189 = arith.muli %arg0, %mul3A_188 : i32
    %add3A_190 = arith.constant 98304 : i32
    %add3A_191 = arith.addi %add3A_190, %mul3A_189 : i32
    %get3A_192 = arith.constant 0 : index
    %get3A_193 = arith.index_cast %add3A_191 : i32 to index
    %get3A_194 = vector.load %arg1[%get3A_192, %get3A_193] : memref<16x106496xf32, #tpu.memory_space<vmem>>, vector<16x2048xf32>
    %transpose3A_195 = tpu.transpose %get3A_194, [1, 0] : vector<16x2048xf32> -> vector<2048x16xf32>
    %mul3A_196 = arith.constant 2048 : i32
    %mul3A_197 = arith.muli %arg0, %mul3A_196 : i32
    %add3A_198 = arith.constant 102400 : i32
    %add3A_199 = arith.addi %add3A_198, %mul3A_197 : i32
    %get3A_200 = arith.constant 0 : index
    %get3A_201 = arith.index_cast %add3A_199 : i32 to index
    %get3A_202 = vector.load %arg1[%get3A_200, %get3A_201] : memref<16x106496xf32, #tpu.memory_space<vmem>>, vector<16x2048xf32>
    %transpose3A_203 = tpu.transpose %get3A_202, [1, 0] : vector<16x2048xf32> -> vector<2048x16xf32>
    %concatenate3A = tpu.concatenate %transpose3A, %transpose3A_11, %transpose3A_19, %transpose3A_27, %transpose3A_35, %transpose3A_43, %transpose3A_51, %transpose3A_59, %transpose3A_67, %transpose3A_75, %transpose3A_83, %transpose3A_91, %transpose3A_99, %transpose3A_107, %transpose3A_115, %transpose3A_123, %transpose3A_131, %transpose3A_139, %transpose3A_147, %transpose3A_155, %transpose3A_163, %transpose3A_171, %transpose3A_179, %transpose3A_187, %transpose3A_195, %transpose3A_203 in 1 : vector<2048x16xf32>, vector<2048x16xf32>, vector<2048x16xf32>, vector<2048x16xf32>, vector<2048x16xf32>, vector<2048x16xf32>, vector<2048x16xf32>, vector<2048x16xf32>, vector<2048x16xf32>, vector<2048x16xf32>, vector<2048x16xf32>, vector<2048x16xf32>, vector<2048x16xf32>, vector<2048x16xf32>, vector<2048x16xf32>, vector<2048x16xf32>, vector<2048x16xf32>, vector<2048x16xf32>, vector<2048x16xf32>, vector<2048x16xf32>, vector<2048x16xf32>, vector<2048x16xf32>, vector<2048x16xf32>, vector<2048x16xf32>, vector<2048x16xf32>, vector<2048x16xf32> -> vector<2048x416xf32>
    %get3A_204 = arith.constant 0 : index
    %get3A_205 = arith.constant 0 : index
    %get3A_206 = vector.load %arg2[%get3A_204, %get3A_205] : memref<2048x26xf32, #tpu.memory_space<vmem>>, vector<2048x26xf32>
    %iota3A = tpu.iota {dimensions = array<i32: 0>} : vector<416x16xi32>
    %iota3A_207 = tpu.iota {dimensions = array<i32: 1>} : vector<416x16xi32>
    %jit3A = arith.constant 16 : i32
    %eq3A = arith.constant 0 : i32
    %eq3A_208 = arith.cmpi eq, %jit3A, %eq3A : i32
    %jit3A_209 = arith.constant 1 : i32
    %select_n3A = arith.select %eq3A_208, %jit3A_209, %jit3A : i32
    %rem3A = vector.broadcast %select_n3A : i32 to vector<416x16xi32>
    %rem3A_210 = arith.remsi %iota3A, %rem3A : vector<416x16xi32>
    %ne3A = arith.constant 0 : i32
    %ne3A_211 = vector.broadcast %ne3A : i32 to vector<416x16xi32>
    %ne3A_212 = arith.cmpi ne, %rem3A_210, %ne3A_211 : vector<416x16xi32>
    %lt3A = arith.constant 0 : i32
    %lt3A_213 = vector.broadcast %lt3A : i32 to vector<416x16xi32>
    %lt3A_214 = arith.cmpi slt, %rem3A_210, %lt3A_213 : vector<416x16xi32>
    %lt3A_215 = arith.constant 0 : i32
    %lt3A_216 = arith.cmpi slt, %select_n3A, %lt3A_215 : i32
    %ne3A_217 = vector.broadcast %lt3A_216 : i1 to vector<416x16xi1>
    %ne3A_218 = vector.broadcast %ne3A_217 : vector<416x16xi1> to vector<416x16xi1>
    %ne3A_219 = arith.xori %lt3A_214, %ne3A_218 : vector<416x16xi1>
    %and3A = arith.andi %ne3A_219, %ne3A_212 : vector<416x16xi1>
    %add3A_220 = vector.broadcast %select_n3A : i32 to vector<416x16xi32>
    %add3A_221 = arith.addi %rem3A_210, %add3A_220 : vector<416x16xi32>
    %select_n3A_222 = arith.select %and3A, %add3A_221, %rem3A_210 : vector<416x16xi1>, vector<416x16xi32>
    %eq3A_223 = arith.cmpi eq, %select_n3A_222, %iota3A_207 : vector<416x16xi32>
    %convert_element_type3A = arith.extui %eq3A_223 : vector<416x16xi1> to vector<416x16xi32>
    %convert_element_type3A_224 = arith.sitofp %convert_element_type3A : vector<416x16xi32> to vector<416x16xf32>
    %dot_general3A = arith.constant dense<0.000000e+00> : vector<2048x16xf32>
    %dot_general3A_225 = tpu.matmul %concatenate3A, %convert_element_type3A_224, %dot_general3A {dimension_numbers = #tpu.dot_dimension_numbers<[1], [0], [0], [1], [0, 0, 1, 1], [], []>, transpose_lhs_hint = false} : vector<2048x416xf32>, vector<416x16xf32>, vector<2048x16xf32> -> vector<2048x16xf32>
    %mul3A_226 = arith.mulf %dot_general3A_225, %dot_general3A_225 : vector<2048x16xf32>
    %reduce_sum3A = arith.constant dense<0.000000e+00> : vector<2048xf32>
    %reduce_sum3A_227 = vector.multi_reduction <add>, %mul3A_226, %reduce_sum3A [1] : vector<2048x16xf32> to vector<2048xf32>
    %mul3A_228 = arith.mulf %concatenate3A, %concatenate3A : vector<2048x416xf32>
    %reduce_sum3A_229 = arith.constant dense<0.000000e+00> : vector<2048xf32>
    %reduce_sum3A_230 = vector.multi_reduction <add>, %mul3A_228, %reduce_sum3A_229 [1] : vector<2048x416xf32> to vector<2048xf32>
    %sub3A = arith.subf %reduce_sum3A_227, %reduce_sum3A_230 : vector<2048xf32>
    %mul3A_231 = arith.constant 5.000000e-01 : f32
    %mul3A_232 = vector.broadcast %mul3A_231 : f32 to vector<2048xf32>
    %mul3A_233 = arith.mulf %mul3A_232, %sub3A : vector<2048xf32>
    %reduce_sum3A_234 = arith.constant dense<0.000000e+00> : vector<2048xf32>
    %reduce_sum3A_235 = vector.multi_reduction <add>, %get3A_206, %reduce_sum3A_234 [1] : vector<2048x26xf32> to vector<2048xf32>
    %add3A_236 = arith.addf %reduce_sum3A_235, %mul3A_233 : vector<2048xf32>
    %get3A_237 = arith.constant 0 : index
    %get3A_238 = memref.load %arg10[%get3A_237] : memref<3xf32, #tpu.memory_space<smem>>
    %mul3A_239 = vector.broadcast %get3A_238 : f32 to vector<2048xf32>
    %mul3A_240 = arith.mulf %add3A_236, %mul3A_239 : vector<2048xf32>
    %get3A_241 = arith.constant 1 : index
    %get3A_242 = memref.load %arg10[%get3A_241] : memref<3xf32, #tpu.memory_space<smem>>
    %add3A_243 = vector.broadcast %get3A_242 : f32 to vector<2048xf32>
    %add3A_244 = arith.addf %mul3A_240, %add3A_243 : vector<2048xf32>
    %convert_element_type3A_245 = arith.truncf %concatenate3A : vector<2048x416xf32> to vector<2048x416xbf16>
    %get3A_246 = arith.constant 0 : index
    %get3A_247 = arith.constant 0 : index
    %get3A_248 = vector.load %arg3[%get3A_246, %get3A_247] : memref<416x1024xf32, #tpu.memory_space<vmem>>, vector<416x1024xf32>
    %convert_element_type3A_249 = arith.truncf %get3A_248 : vector<416x1024xf32> to vector<416x1024xbf16>
    %dot_general3A_250 = arith.constant dense<0.000000e+00> : vector<2048x1024xf32>
    %dot_general3A_251 = tpu.matmul %convert_element_type3A_245, %convert_element_type3A_249, %dot_general3A_250 {dimension_numbers = #tpu.dot_dimension_numbers<[1], [0], [0], [1], [0, 0, 1, 1], [], []>, transpose_lhs_hint = false} : vector<2048x416xbf16>, vector<416x1024xbf16>, vector<2048x1024xf32> -> vector<2048x1024xf32>
    %get3A_252 = arith.constant 0 : index
    %get3A_253 = arith.constant 0 : index
    %get3A_254 = vector.load %arg4[%get3A_252, %get3A_253] : memref<1x1024xf32, #tpu.memory_space<vmem>>, vector<1x1024xf32>
    %add3A_255 = vector.broadcast %get3A_254 : vector<1x1024xf32> to vector<2048x1024xf32>
    %add3A_256 = arith.addf %dot_general3A_251, %add3A_255 : vector<2048x1024xf32>
    %max3A = arith.constant 0.000000e+00 : f32
    %max3A_257 = vector.broadcast %max3A : f32 to vector<2048x1024xf32>
    %max3A_258 = arith.maximumf %add3A_256, %max3A_257 : vector<2048x1024xf32>
    %convert_element_type3A_259 = arith.truncf %max3A_258 : vector<2048x1024xf32> to vector<2048x1024xbf16>
    %get3A_260 = arith.constant 0 : index
    %get3A_261 = arith.constant 0 : index
    %get3A_262 = vector.load %arg5[%get3A_260, %get3A_261] : memref<1024x512xf32, #tpu.memory_space<vmem>>, vector<1024x512xf32>
    %convert_element_type3A_263 = arith.truncf %get3A_262 : vector<1024x512xf32> to vector<1024x512xbf16>
    %dot_general3A_264 = arith.constant dense<0.000000e+00> : vector<2048x512xf32>
    %dot_general3A_265 = tpu.matmul %convert_element_type3A_259, %convert_element_type3A_263, %dot_general3A_264 {dimension_numbers = #tpu.dot_dimension_numbers<[1], [0], [0], [1], [0, 0, 1, 1], [], []>, transpose_lhs_hint = false} : vector<2048x1024xbf16>, vector<1024x512xbf16>, vector<2048x512xf32> -> vector<2048x512xf32>
    %get3A_266 = arith.constant 0 : index
    %get3A_267 = arith.constant 0 : index
    %get3A_268 = vector.load %arg6[%get3A_266, %get3A_267] : memref<1x512xf32, #tpu.memory_space<vmem>>, vector<1x512xf32>
    %add3A_269 = vector.broadcast %get3A_268 : vector<1x512xf32> to vector<2048x512xf32>
    %add3A_270 = arith.addf %dot_general3A_265, %add3A_269 : vector<2048x512xf32>
    %max3A_271 = arith.constant 0.000000e+00 : f32
    %max3A_272 = vector.broadcast %max3A_271 : f32 to vector<2048x512xf32>
    %max3A_273 = arith.maximumf %add3A_270, %max3A_272 : vector<2048x512xf32>
    %convert_element_type3A_274 = arith.truncf %max3A_273 : vector<2048x512xf32> to vector<2048x512xbf16>
    %get3A_275 = arith.constant 0 : index
    %get3A_276 = arith.constant 0 : index
    %get3A_277 = vector.load %arg7[%get3A_275, %get3A_276] : memref<512x256xf32, #tpu.memory_space<vmem>>, vector<512x256xf32>
    %convert_element_type3A_278 = arith.truncf %get3A_277 : vector<512x256xf32> to vector<512x256xbf16>
    %dot_general3A_279 = arith.constant dense<0.000000e+00> : vector<2048x256xf32>
    %dot_general3A_280 = tpu.matmul %convert_element_type3A_274, %convert_element_type3A_278, %dot_general3A_279 {dimension_numbers = #tpu.dot_dimension_numbers<[1], [0], [0], [1], [0, 0, 1, 1], [], []>, transpose_lhs_hint = false} : vector<2048x512xbf16>, vector<512x256xbf16>, vector<2048x256xf32> -> vector<2048x256xf32>
    %get3A_281 = arith.constant 0 : index
    %get3A_282 = arith.constant 0 : index
    %get3A_283 = vector.load %arg8[%get3A_281, %get3A_282] : memref<1x256xf32, #tpu.memory_space<vmem>>, vector<1x256xf32>
    %add3A_284 = vector.broadcast %get3A_283 : vector<1x256xf32> to vector<2048x256xf32>
    %add3A_285 = arith.addf %dot_general3A_280, %add3A_284 : vector<2048x256xf32>
    %max3A_286 = arith.constant 0.000000e+00 : f32
    %max3A_287 = vector.broadcast %max3A_286 : f32 to vector<2048x256xf32>
    %max3A_288 = arith.maximumf %add3A_285, %max3A_287 : vector<2048x256xf32>
    %get3A_289 = arith.constant 0 : index
    %get3A_290 = arith.constant 0 : index
    %get3A_291 = vector.load %arg9[%get3A_289, %get3A_290] : memref<1x256xf32, #tpu.memory_space<vmem>>, vector<1x256xf32>
    %mul3A_292 = vector.broadcast %get3A_291 : vector<1x256xf32> to vector<2048x256xf32>
    %mul3A_293 = arith.mulf %max3A_288, %mul3A_292 : vector<2048x256xf32>
    %reduce_sum3A_294 = arith.constant dense<0.000000e+00> : vector<2048xf32>
    %reduce_sum3A_295 = vector.multi_reduction <add>, %mul3A_293, %reduce_sum3A_294 [1] : vector<2048x256xf32> to vector<2048xf32>
    %get3A_296 = arith.constant 2 : index
    %get3A_297 = memref.load %arg10[%get3A_296] : memref<3xf32, #tpu.memory_space<smem>>
    %add3A_298 = vector.broadcast %get3A_297 : f32 to vector<2048xf32>
    %add3A_299 = arith.addf %reduce_sum3A_295, %add3A_298 : vector<2048xf32>
    %add3A_300 = arith.addf %add3A_244, %add3A_299 : vector<2048xf32>
    %logistic3A = arith.negf %add3A_300 : vector<2048xf32>
    %logistic3A_301 = math.exp %logistic3A : vector<2048xf32>
    %logistic3A_302 = arith.constant 1.000000e+00 : f32
    %logistic3A_303 = vector.broadcast %logistic3A_302 : f32 to vector<2048xf32>
    %logistic3A_304 = arith.addf %logistic3A_303, %logistic3A_301 : vector<2048xf32>
    %logistic3A_305 = arith.divf %logistic3A_303, %logistic3A_304 : vector<2048xf32>
    %swap3A = arith.constant 0 : index
    %swap3A_306 = vector.load %arg11[%swap3A] : memref<2048xf32, #tpu.memory_space<vmem>>, vector<2048xf32>
    tpu.vector_store %arg11[%swap3A], %logistic3A_305 {strides = array<i32>} : memref<2048xf32, #tpu.memory_space<vmem>>, vector<2048xf32>,
    return
  }
  func.func @transform_0(%arg0: i32) -> (i32, i32) {
    %c0_i32 = arith.constant 0 : i32
    %c0_i32_0 = arith.constant 0 : i32
    %c0_i32_1 = arith.constant 0 : i32
    return %c0_i32, %c0_i32_0 : i32, i32
  }
  func.func @transform_1(%arg0: i32) -> (i32, i32) {
    %c0_i32 = arith.constant 0 : i32
    %c0_i32_0 = arith.constant 0 : i32
    return %arg0, %c0_i32 : i32, i32
  }
  func.func @transform_2(%arg0: i32) -> (i32, i32) {
    %c0_i32 = arith.constant 0 : i32
    %c0_i32_0 = arith.constant 0 : i32
    %c0_i32_1 = arith.constant 0 : i32
    return %c0_i32, %c0_i32_0 : i32, i32
  }
  func.func @transform_3(%arg0: i32) -> (i32, i32) {
    %c0_i32 = arith.constant 0 : i32
    %c0_i32_0 = arith.constant 0 : i32
    %c0_i32_1 = arith.constant 0 : i32
    return %c0_i32, %c0_i32_0 : i32, i32
  }
  func.func @transform_4(%arg0: i32) -> (i32, i32) {
    %c0_i32 = arith.constant 0 : i32
    %c0_i32_0 = arith.constant 0 : i32
    %c0_i32_1 = arith.constant 0 : i32
    return %c0_i32, %c0_i32_0 : i32, i32
  }
  func.func @transform_5(%arg0: i32) -> (i32, i32) {
    %c0_i32 = arith.constant 0 : i32
    %c0_i32_0 = arith.constant 0 : i32
    %c0_i32_1 = arith.constant 0 : i32
    return %c0_i32, %c0_i32_0 : i32, i32
  }
  func.func @transform_6(%arg0: i32) -> (i32, i32) {
    %c0_i32 = arith.constant 0 : i32
    %c0_i32_0 = arith.constant 0 : i32
    %c0_i32_1 = arith.constant 0 : i32
    return %c0_i32, %c0_i32_0 : i32, i32
  }
  func.func @transform_7(%arg0: i32) -> (i32, i32) {
    %c0_i32 = arith.constant 0 : i32
    %c0_i32_0 = arith.constant 0 : i32
    %c0_i32_1 = arith.constant 0 : i32
    return %c0_i32, %c0_i32_0 : i32, i32
  }
  func.func @transform_8(%arg0: i32) -> (i32, i32) {
    %c0_i32 = arith.constant 0 : i32
    %c0_i32_0 = arith.constant 0 : i32
    %c0_i32_1 = arith.constant 0 : i32
    return %c0_i32, %c0_i32_0 : i32, i32
  }
  func.func @transform_9(%arg0: i32) -> i32 {
    %c0_i32 = arith.constant 0 : i32
    %c0_i32_0 = arith.constant 0 : i32
    return %c0_i32 : i32
  }
  func.func @transform_10(%arg0: i32) -> i32 {
    %c0_i32 = arith.constant 0 : i32
    return %arg0 : i32
  }
}

</mosaic_0001>

<sc_bundles>
// kernel: gather_offload_async_start
scs
__scs_entry_jumppad:
0x0: {  	(pc) =	sbr.rel $0x88, $3  }
0x1: {  	(tag) =	ssettag $0x0;
	lr =	simm.s32 $0x1  }
0x2: {  	[smem:$0x3F94] =	sst lr;
	_ =	strace $0xD0000000  }
0x3: {  	_ = 	snop  }
0x4: {  	_ = 	snop  }
0x5: {  	_ = 	snop  }
0x6: {  	_ = 	snop  }
0x7: {  	_ = 	snop  }
__scs_overlays_trampoline_lowered:
0x8: {  	[smem:$0x3FA3] =	sst s0  }
0x9: {  	[smem:$0x3FA4] =	sst s1  }
0xa: {  	[smem:$0x3FA5] =	sst s2  }
0xb: {  	[smem:$0x3FA6] =	sst s3  }
0xc: {  	[smem:$0x3FA7] =	sst s4  }
0xd: {  	[smem:$0x3FA8] =	sst s5  }
0xe: {  	[smem:$0x3FA9] =	sst s6  }
0xf: {  	[smem:$0x3FAA] =	sst s7  }
0x10: {  	[smem:$0x3FAB] =	sst s8  }
0x11: {  	[smem:$0x3FAC] =	sst s9;
	s0 =	simm.s32 @!p0 $0x0  }
0x12: {  	s1 =	sld [smem:$0x3F92];
	s0 =	simm.s32 @p0 $0x1  }
0x13: {  	[smem:$0x3FAD] =	sst s0;
	s0 =	simm.s32 @!p1 $0x0  }
0x14: {  	s2 =	sld [smem:$0x3F91];
	s0 =	simm.s32 @p1 $0x1  }
0x15: {  	[smem:$0x3FAE] =	sst s0;
	s0 =	simm.s32 @!p2 $0x0  }
0x16: {  	s3 =	sld [smem:$0x3FDB];
	s0 =	simm.s32 @p2 $0x1  }
0x17: {  	s4 =	simm.s32 $0x1BF5;
	[smem:$0x3FB0] =	sst s0  }
0x18: {  	s0 =	sld [smem:$0x3F93];
	_ =	swait.ge [sflag:s4], $0x0  }
0x19: {  	s7 =	sld [smem:$0x3F94]  }
0x1a: {  	s8 =	sadd.s32 $0xFFFFE003, lr  }
0x1b: {  	s9 =	sadd.s32 $0xFFFFFEF7, lr;
	s5 =	simm.s32 $0xFFFFFFFF;
	p2 =	slt.u32 s8, $0xFFFFF086  }
0x1c: {  	p1 =	slt.u32 s9, $0xF7A;
	s5 =	simm.s32 @!p2 $0x0  }
0x1d: {  	s5 =	simm.s32 @p1 $0x1;
	p0 =	seq.s32 s7, s2  }
0x1e: {  	s7 =	smul.u32 @!p0 $0xF7A, s2;
	p2 =	seq.s32 @!p0 s5, $0x0  }
0x1f: {  	s9 =	smul.u32 $0xF7A, s1;
	s8 =	simm.s32 @!p0 $0x1BF5;
	p2 =	por !p2, p0  }
0x20: {  	[sflag:s8] =	ssyncset.s32 @!p0 $0xFFFFF086;
	s6 =	sadd.s32 @!p0 s3, s7;
	s7 =	simm.s32 @!p0 $0x108  }
0x21: {  	s3 =	sadd.s32 s3, s9;
	s6 =	sadd.s32 @!p0 $0x88, s6;
	s7 =	simm.s32 @p2 $0x1082  }
0x22: {  	[simem:s7], [sflag:s8] =	dma.local @!p0 [hbm:s6], $0xF7A  }
0x23: {  	s9 =	sor.u32 $0xD0000000, s2;
	s6 =	simm.s32 $0x108;
	_ =	swait.ge @!p0 [sflag:s8], $0x0  }
0x24: {  	s3 =	sadd.s32 $0x88, s3;
	s6 =	simm.s32 @!p1 $0x1082;
	[sflag:s4] =	ssyncset.s32 $0xFFFFF086  }
0x25: {  	[simem:s6], [sflag:s4] =	dma.local [hbm:s3], $0xF7A  }
0x26: {  	[smem:$0x3F94] =	sst s1;
	(tag) =	ssettag s2;
	_ =	strace s9  }
0x27: {  	s1 =	sld [smem:$0x3FA4]  }
0x28: {  	s2 =	sld [smem:$0x3FA5]  }
0x29: {  	s4 =	sld [smem:$0x3FA7]  }
0x2a: {  	p0 =	seq.s32 s5, $0x0;
	s5 =	sld [smem:$0x3FA8]  }
0x2b: {  	s6 =	sld [smem:$0x3FA9]  }
0x2c: {  	s7 =	sld [smem:$0x3FAA]  }
0x2d: {  	s3 =	simm.s32 $0x108;
	s8 =	sld [smem:$0x3FAB]  }
0x2e: {  	s3 =	simm.s32 @!p0 $0x1082;
	s9 =	sld [smem:$0x3FAC]  }
0x2f: {  	lr =	sadd.s32 s0, s3;
	s0 =	sld [smem:$0x3FA3]  }
0x30: {  	s3 =	sld [smem:$0x3FA6]  }
0x31: {  	[smem:$0x3FAF] =	sst s10  }
0x32: {  	s10 =	sld [smem:$0x3FAD];
	_ =	sdelay $0x3  }
0x33: {  	p0 =	seq.s32 s10, $0x1;
	s10 =	sld [smem:$0x3FAF];
	_ =	sdelay $0x3  }
0x34: {  	[smem:$0x3FAF] =	sst s10  }
0x35: {  	s10 =	sld [smem:$0x3FAE];
	_ =	sdelay $0x3  }
0x36: {  	p1 =	seq.s32 s10, $0x1;
	s10 =	sld [smem:$0x3FAF];
	_ =	sdelay $0x3  }
0x37: {  	[smem:$0x3FAF] =	sst s10  }
0x38: {  	s10 =	sld [smem:$0x3FB0]  }
0x39: {  	_ = 	snop;
	(pc) =	sbr.ind lr, $3  }
0x3a: {  	_ = 	snop  }
0x3b: {  	_ = 	snop  }
0x3c: {  	p2 =	seq.s32 s10, $0x1;
	s10 =	sld [smem:$0x3FAF]  }
0x3d: {  	_ =	shalt  }
0x3e: {  	_ =	shalt  }
0x3f: {  	_ =	shalt  }
0x40: {  	_ =	shalt  }
0x41: {  	_ =	shalt  }
0x42: {  	_ =	shalt  }
0x43: {  	_ =	shalt  }
0x44: {  	_ =	shalt  }
0x45: {  	_ =	shalt  }
0x46: {  	_ =	shalt  }
0x47: {  	_ =	shalt  }
0x48: {  	_ =	shalt  }
0x49: {  	_ =	shalt  }
0x4a: {  	_ =	shalt  }
0x4b: {  	_ =	shalt  }
0x4c: {  	_ =	shalt  }
0x4d: {  	_ =	shalt  }
0x4e: {  	_ =	shalt  }
0x4f: {  	_ =	shalt  }
0x50: {  	_ =	shalt  }
0x51: {  	_ =	shalt  }
0x52: {  	_ =	shalt  }
0x53: {  	_ =	shalt  }
0x54: {  	_ =	shalt  }
0x55: {  	_ =	shalt  }
0x56: {  	_ =	shalt  }
0x57: {  	_ =	shalt  }
0x58: {  	_ =	shalt  }
0x59: {  	_ =	shalt  }
0x5a: {  	_ =	shalt  }
0x5b: {  	_ =	shalt  }
0x5c: {  	_ =	shalt  }
0x5d: {  	_ =	shalt  }
0x5e: {  	_ =	shalt  }
0x5f: {  	_ =	shalt  }
0x60: {  	_ =	shalt  }
0x61: {  	_ =	shalt  }
0x62: {  	_ =	shalt  }
0x63: {  	_ =	shalt  }
0x64: {  	_ =	shalt  }
0x65: {  	_ =	shalt  }
0x66: {  	_ =	shalt  }
0x67: {  	_ =	shalt  }
0x68: {  	_ =	shalt  }
0x69: {  	_ =	shalt  }
0x6a: {  	_ =	shalt  }
0x6b: {  	_ =	shalt  }
0x6c: {  	_ =	shalt  }
0x6d: {  	_ =	shalt  }
0x6e: {  	_ =	shalt  }
0x6f: {  	_ =	shalt  }
0x70: {  	_ =	shalt  }
0x71: {  	_ =	shalt  }
0x72: {  	_ =	shalt  }
0x73: {  	_ =	shalt  }
0x74: {  	_ =	shalt  }
0x75: {  	_ =	shalt  }
0x76: {  	_ =	shalt  }
0x77: {  	_ =	shalt  }
0x78: {  	_ =	shalt  }
0x79: {  	_ =	shalt  }
0x7a: {  	_ =	shalt  }
0x7b: {  	_ =	shalt  }
0x7c: {  	_ =	shalt  }
0x7d: {  	_ =	shalt  }
0x7e: {  	_ =	shalt  }
0x7f: {  	_ =	shalt  }
0x80: {  	_ =	shalt  }
0x81: {  	_ =	shalt  }
0x82: {  	_ =	shalt  }
0x83: {  	_ =	shalt  }
0x84: {  	_ =	shalt  }
0x85: {  	_ =	shalt  }
0x86: {  	_ =	shalt  }
0x87: {  	_ =	shalt  }
.Lfunc_end0:
.L_simem_size_0:
called_computation_lowered:
.L_overlay_start_0:
0x88: {  	s2 =	sld [smem:$0x3FD9]  }
0x89: {  	s3 =	sld [smem:$0x3FFE];
	_ =	sdelay $0x1  }
0x8a: {  	s1 =	srdreg.scid  }
0x8b: {  	s0 =	sand.u32 $0x1, s1  }
0x8c: {  	s17 =	sshll.u32 s0, $0xA;
	s2 =	sadd.s32 s3, s2  }
0x8d: {  	s2 =	sadd.s32 s2, s17  }
0x8e: {  	[smem:$0x3FBB] =	sst s2  }
0x8f: {  	_ = 	snop  }
0x90: {  	s18 =	sld [smem:$0x3FC8];
	(tm) =	ssettm $0x1  }
0x91: {  	s19 =	sld [smem:$0x3FFB];
	_ =	sdelay $0x3  }
0x92: {  	_ =	strace s19  }
0x93: {  	s2 =	sld [smem:$0x3FFC];
	_ =	sdelay $0x3  }
0x94: {  	_ =	strace s2  }
0x95: {  	s2 =	sld [smem:$0x3FFD];
	_ =	sdelay $0x3  }
0x96: {  	_ =	strace s2  }
0x97: {  	_ =	strace $0x8FFFFFFF  }
0x98: {  	s20 =	sld [smem:$0x3FDB];
	_ =	sdelay $0x1  }
0x99: {  	s4 =	simm.s32 $_scs_section_size  }
0x9a: {  	s5 =	simm.s32 $_size__tile_overlayer_lowered;
	s6 =	simm.s32 $_tile_overlayer_lowered  }
0x9b: {  	s7 =	simm.s32 $0x1BFF;
	s21 =	sshll.u32 s6, $0x1;
	s4 =	sadd.s32 s4, s20  }
0x9c: {  	s22 =	simm.s32 $0x0;
	s5 =	sshll.u32 s5, $0x1;
	s6 =	sadd.s32 s21, s4  }
0x9d: {  	[timem:s22], [sflag:s7] =	dma.local [hbm:s6], s5  }
0x9e: {  	_ =	swait.ge [sflag:s7], s5  }
0x9f: {  	s5 =	ssub.s32 $0x0, s5;
	[sflag:s7] =	ssyncset.done $0x0  }
0xa0: {  	[sflag:s7] =	ssyncadd.s32 s5;
	_ =	sdelay $0x1  }
0xa1: {  	s23 =	simm.s32 $0x1B8B  }
0xa2: {  	_ =	swait.ge [sflag:s23], $0x1  }
0xa3: {  	[sflag:s23] =	ssyncset.done $0x0  }
0xa4: {  	[sflag:s23] =	ssyncadd.s32 $0xFFFFFFFF  }
0xa5: {  	s5 =	sld [smem:$0x0]  }
0xa6: {  	s6 =	sand.u32 $0xFFFFFFFE, s1  }
0xa7: {  	p0 =	sne.s32 s1, s6  }
0xa8: {  	s6 =	sshll.u32 @p0 s6, $0xE  }
0xa9: {  	s6 =	sadd.s32 @p0 $0x11B8D, s6;
	s7 =	sshll.u32 @p0 s5, $0x11  }
0xaa: {  	s6 =	sor.u32 @p0 s7, s6  }
0xab: {  	[sflag:s6] =	ssyncadd.remote.s32 @p0 $0x1;
	_ =	sdelay $0x1  }
0xac: {  	s6 =	simm.s32 @p0 $0x1B8D  }
0xad: {  	_ =	swait.eq @p0 [sflag:s6], $0x1  }
0xae: {  	[sflag:s6] =	ssyncadd.s32 @p0 $0xFFFFFFFF  }
0xaf: {  	s7 =	sshll.u32 @!p0 s1, $0xE  }
0xb0: {  	s7 =	sor.u32 @!p0 $0x4000, s7;
	s6 =	simm.s32 @!p0 $0x1B8D  }
0xb1: {  	s5 =	sshll.u32 @!p0 s5, $0x11;
	s7 =	sadd.s32 @!p0 $0x11B8D, s7;
	_ =	swait.eq @!p0 [sflag:s6], $0x1  }
0xb2: {  	s5 =	sor.u32 @!p0 s5, s7;
	[sflag:s6] =	ssyncadd.s32 @!p0 $0xFFFFFFFF  }
0xb3: {  	s25 =	simm.s32 $0x1B8E;
	s24 =	sld [smem:$0x3FFE];
	[sflag:s5] =	ssyncadd.remote.s32 @!p0 $0x1  }
0xb4: {  	s26 =	simm.s32 $execute0_lowered;
	[smem:$0x3FD2] =	sst s25  }
0xb5: {  	s6 =	sshll.u32 s26, $0x1;
	_ =	strace $0x80000049;
	[dreg:$0x1] =	wrdreg $0xFFFFFFFF  }
0xb6: {  	s28 =	simm.s32 $_size_execute0_lowered;
	s4 =	sadd.s32 s4, s6;
	[dreg:$0x0] =	wrdreg $0x0  }
0xb7: {  	s6 =	sshll.u32 s28, $0x1;
	[dreg:$0x2] =	wrdreg s4  }
0xb8: {  	[dreg:$0x3] =	wrdreg s6  }
0xb9: {  	[dreg:$0x4] =	wrdreg $0xC0  }
0xba: {  	_ =	task [dreg:s22], $0x5FFFF  }
0xbb: {  	[dreg:$0x1] =	wrdreg $0xFFFFFFFF  }
0xbc: {  	[dreg:$0x0] =	wrdreg $0x60  }
0xbd: {  	[dreg:$0x2] =	wrdreg s18  }
0xbe: {  	[dreg:$0x3] =	wrdreg s24  }
0xbf: {  	[dreg:$0x4] =	wrdreg $0x9  }
0xc0: {  	_ =	task.clear_ibuf [dreg:s22], $0x5FFFF;
	_ =	strace $0x90000049  }
0xc1: {  	s29 =	simm.s32 $0x9;
	_ =	strace $0x8000004B  }
0xc2: {  	_ =	swait.ge [sflag:s29], $0x1  }
0xc3: {  	[sflag:s29] =	ssyncadd.s32 $0xFFFFFFFF  }
0xc4: {  	_ =	strace $0x9000004B  }
0xc5: {  	_ =	sfence  }
0xc6: {  	s30 =	sld [smem:$0x0];
	_ =	sdelay $0x2  }
0xc7: {  	s31 =	sshll.u32 s1, $0xD;
	s1 =	sshrl.u32 s1, $0x2  }
0xc8: {  	s4 =	sand.u32 $0x4000, s31;
	s1 =	sadd.s32 s1, s30  }
0xc9: {  	s0 =	sor.u32 s4, s0;
	s1 =	sshll.u32 s1, $0x11  }
0xca: {  	s0 =	sor.u32 s1, s0  }
0xcb: {  	s0 =	sadd.s32 $0x8F2B, s0  }
0xcc: {  	[sflag:s0] =	ssyncadd.remote.s32 $0x1  }
0xcd: {  	_ =	sfence.sel $0xFFFF  }
0xce: {  	[dreg:$0x0] =	wrdreg $0xFFFFFFFF;
	(pc) =	sbr.abs _section_cstart, $3  }
0xcf: {  	[dreg:$0x1] =	wrdreg $0xFFFFFFFF  }
0xd0: {  	_ =	task.clear_ibuf [dreg:s22], $0x2FFFF;
	_ =	strace $0x9FFFFFFF  }
0xd1: {  	(tm) =	ssettm $0x7FFFFFFF  }
tec
execute0_lowered:
.L_overlay_start_1:
0x0: {  	(tag) =	ssettag $0x1  }
0x1: {  	s0 =	stileid.u32;
	s2 =	rddreg [dreg:$0x0]  }
0x2: {  	s1 =	srdreg.scid;
	s9 =	rddreg [dreg:$0x1]  }
0x3: {  	s4 =	simm.s32 $0x1;
	s6 =	simm.s32 $0x2;
	s11 =	simm.s32 $0x1  }
0x4: {  	s31 =	simm.s32 $0x3;
	s1 =	sand.u32 $0x1, s1;
	s3 =	sshll.u32 s0, $0x1  }
0x5: {  	s13 =	simm.s32 $0x0;
	s12 =	simm.s32 $0x0;
	s7 =	sor.u32 s3, s1  }
0x6: {  	s1 =	rddreg [dreg:$0x2];
	_ =	strace $0x8000004A;
	s3 =	smul.u32 $0xD00, s7  }
0x7: {  	[sflag:s4] =	ssyncpa.u1 $0x0;
	p0 =	seq.s32 s7, $0x0;
	s7 =	simm.s32 $0x1A000  }
0x8: {  	s7 =	simm.s32 @!p0 $0x0;
	s11 =	simm.s32 @!p0 $0x0;
	[sflag:s6] =	ssyncpa.u1 $0x0  }
.Ltmp0:
0x9: {  	s5 =	sshrl.u32 s3, $0x3;
	s10 =	ssub.s32 $0x1A000, s3;
	(pc) =	sbr.rel .LBB2_1-.Ltmp0, $4  }
0xa: {  	[sflag:s31] =	ssyncpa.u1 $0x0;
	p0 =	sne.s32 s10, s7;
	s7 =	simm.s32 $0x1  }
0xb: {  	s8 =	sadd.s32 s5, s9;
	s5 =	sadd.s32 $0x5AA00, s9;
	s7 =	simm.s32 @!p0 $0x0  }
0xc: {  	s9 =	sadd.s32 $0x74A00, s9;
	s8 =	sadd.s32 $0x57600, s8;
	s7 =	sadd.s32 s11, s7  }
0xd: {  	vm0 =	vmmov $0xffff;
	p0 =	por $0x0, $0x0;
	s11 =	simm.s32 $0x0;
	s10 =	sadd.s32 $0x1, s7  }
.LBB2_4:
0xe: {  	_ =	sdelay $0x2  }
0xf: {  	(ifvalue) =	ssetifvalue $0x7FFFFFFF  }
0x10: {  	[tilespmem:s20], [sflag:$0x1] =	stream.indirect_vreg.gather [hbm4b:s2+s11], $0x1, v0, vm0, $0x4038;
	[tilespmem:$0x1BA00] =	vst v63  }
0x11: {  	_ =	swait.ge [sflag:s4], $0xD000  }
0x12: {  	[sflag:s4] =	ssyncset.done $0x0  }
0x13: {  	s16 =	sadd.s32 s5, s13;
	[sflag:s4] =	ssyncadd.s32 $0xFFFF3000  }
0x14: {  	[hbm:s16] =	stream.linear.scatter [tilespmem:s15], [sflag:$0x3], $0x6800, $0x38;
	[tilespmem:$0x1BA00] =	vst v63  }
0x15: {  	s14 =	sadd.s32 $0x8200, s14;
	s31 =	sadd.s32 s13, s9  }
0x16: {  	[hbm:s31] =	stream.linear.scatter [tilespmem:s14], [sflag:$0x3], $0x6800, $0x38;
	[tilespmem:$0x1BA00] =	vst v63  }
.LBB2_5:
0x17: {  	p2 =	sne.s32 s12, s10  }
.Ltmp1:
0x18: {  	p1 =	slt.u32 s12, $0x2;
	(pc) =	sbr.rel @!p2 .LBB2_6-.Ltmp1, $4  }
0x19: {  	s13 =	simm.s32 @!p1 $0x3  }
0x1a: {  	_ =	swait.ge @!p1 [sflag:s13], $0xD000  }
0x1b: {  	s14 =	sadd.s32 $0x1, s12;
	p0 =	por !p0, !p0;
	[sflag:s13] =	ssyncset.done @!p1 $0x0  }
0x1c: {  	s12 =	smov.u32 s14;
	[sflag:s13] =	ssyncadd.s32 @!p1 $0xFFFF3000;
	s13 =	smov.u32 s3  }
.LBB2_1:
0x1d: {  	p1 =	sge.u32 s12, s7  }
0x1e: {  	s14 =	sxor.u32 @!p1 $0x1, s12  }
0x1f: {  	s14 =	smul.u32 @!p1 $0x3400, s14;
	_ =	sdelay $0x1  }
0x20: {  	s31 =	sadd.s32 $0xFFFFFFFF, s12;
	s15 =	simm.s32 @!p1 $0x0;
	s14 =	sshra.s32 @!p1 s14, $0x2  }
0x21: {  	[tilespmem:s14], [sflag:$0x2] =	stream.linear.gather @!p1 [hbm4b:s8+s15], $0xD00, $0x38;
	[tilespmem:$0x1BA00] =	vst v63  }
0x22: {  	p1 =	sge.u32 s31, s7  }
.Ltmp2:
0x23: {  	_ = 	snop;
	(pc) =	sbr.rel @p1 .LBB2_5-.Ltmp2, $1  }
0x24: {  	_ =	sdelay $0x3  }
0x25: {  	s14 =	simm.s32 $0x1  }
0x26: {  	s14 =	simm.s32 @!p0 $0x0  }
0x27: {  	_ =	swait.ge [sflag:s6], $0xD00;
	s14 =	smul.u32 $0x3400, s14  }
0x28: {  	[sflag:s6] =	ssyncset.done $0x0  }
0x29: {  	[sflag:s6] =	ssyncadd.s32 $0xFFFFF300;
	s18 =	sshrl.u32 s14, $0x2  }
0x2a: {  	v0 =	vld.msk [tilespmem:s18+$0x0 ss:$0x1], $0xffff;
	_ =	sdelay $0x4  }
0x2b: {  	vm1 =	vgt.s32 v0, $0x0  }
0x2c: {  	v0 =	vnsel vm1, $0x0, v0  }
0x2d: {  	v0 =	vmin.u32 v0, $0x27AC3F  }
0x2e: {  	s30 =	sand.u32 $0x1, s12;
	v1 =	vshll.u32 v0, $0x3  }
0x2f: {  	s14 =	smul.u32 $0x34000, s30;
	v0 =	vand.u32 $0x7F, v0;
	v1 =	vand.u32 $0x1FFFC00, v1  }
0x30: {  	v0 =	vor.u32 v0, v1  }
0x31: {  	s16 =	simm.s32 $0x0;
	s14 =	sshrl.u32 s14, $0x2  }
0x32: {  	s17 =	sand.u32 $0x7C00, s16;
	s15 =	sadd.s32 $0x1A00, s14  }
0x33: {  	s19 =	sand.u32 $0x70, s16;
	(ifvalue) =	ssetifvalue $0x7FFFFFFF;
	s17 =	sadd.s32 s17, s15;
	v1 =	vor.u32 $0x80, v0  }
0x34: {  	(ifvalue) =	ssetifvalue $0x7FFFFFFF;
	s19 =	sadd.s32 s19, s17  }
0x35: {  	[tilespmem:s19], [sflag:$0x1] =	stream.indirect_vreg.gather [hbm4b:s2+s11], $0x1, v0, vm0, $0x4038;
	[tilespmem:$0x1BA00] =	vst v63  }
0x36: {  	v2 =	vor.u32 $0x100, v0;
	(ifvalue) =	ssetifvalue $0x7FFFFFFF  }
0x37: {  	s17 =	sadd.s32 $0x80, s19;
	(ifvalue) =	ssetifvalue $0x7FFFFFFF  }
0x38: {  	[tilespmem:s17], [sflag:$0x1] =	stream.indirect_vreg.gather [hbm4b:s2+s11], $0x1, v1, vm0, $0x4038;
	[tilespmem:$0x1BA00] =	vst v63  }
0x39: {  	v1 =	vor.u32 $0x180, v0;
	(ifvalue) =	ssetifvalue $0x7FFFFFFF  }
0x3a: {  	s31 =	sadd.s32 $0x100, s19;
	(ifvalue) =	ssetifvalue $0x7FFFFFFF  }
0x3b: {  	[tilespmem:s31], [sflag:$0x1] =	stream.indirect_vreg.gather [hbm4b:s2+s11], $0x1, v2, vm0, $0x4038;
	[tilespmem:$0x1BA00] =	vst v63  }
0x3c: {  	v2 =	vor.u32 $0x200, v0;
	(ifvalue) =	ssetifvalue $0x7FFFFFFF  }
0x3d: {  	s20 =	sadd.s32 $0x180, s19;
	(ifvalue) =	ssetifvalue $0x7FFFFFFF  }
0x3e: {  	[tilespmem:s20], [sflag:$0x1] =	stream.indirect_vreg.gather [hbm4b:s2+s11], $0x1, v1, vm0, $0x4038;
	[tilespmem:$0x1BA00] =	vst v63  }
0x3f: {  	(ifvalue) =	ssetifvalue $0x7FFFFFFF;
	v1 =	vor.u32 $0x280, v0  }
0x40: {  	s21 =	sadd.s32 $0x200, s19;
	(ifvalue) =	ssetifvalue $0x7FFFFFFF  }
0x41: {  	[tilespmem:s21], [sflag:$0x1] =	stream.indirect_vreg.gather [hbm4b:s2+s11], $0x1, v2, vm0, $0x4038;
	[tilespmem:$0x1BA00] =	vst v63  }
0x42: {  	(ifvalue) =	ssetifvalue $0x7FFFFFFF;
	v2 =	vor.u32 $0x300, v0  }
0x43: {  	s23 =	sand.u32 $0x7, s16;
	s22 =	sadd.s32 $0x280, s19;
	(ifvalue) =	ssetifvalue $0x7FFFFFFF  }
0x44: {  	[tilespmem:s22], [sflag:$0x1] =	stream.indirect_vreg.gather [hbm4b:s2+s11], $0x1, v1, vm0, $0x4038;
	[tilespmem:$0x1BA00] =	vst v63  }
0x45: {  	s17 =	sshll.u32 s23, $0x4;
	(ifvalue) =	ssetifvalue $0x7FFFFFFF;
	v1 =	vor.u32 $0x380, v0  }
0x46: {  	s17 =	sadd.s32 $0x0, s17;
	s20 =	sadd.s32 $0x300, s19;
	(ifvalue) =	ssetifvalue $0x7FFFFFFF  }
0x47: {  	[tilespmem:s20], [sflag:$0x1] =	stream.indirect_vreg.gather [hbm4b:s2+s11], $0x1, v2, vm0, $0x4038;
	[tilespmem:$0x1BA00] =	vst v63  }
0x48: {  	s17 =	sor.u32 $0x380, s17;
	(ifvalue) =	ssetifvalue $0x7FFFFFFF;
	v2 =	vadd.s32 $0x13D6400, v0  }
0x49: {  	s17 =	sadd.s32 s17, s15;
	(ifvalue) =	ssetifvalue $0x7FFFFFFF  }
0x4a: {  	[tilespmem:s17], [sflag:$0x1] =	stream.indirect_vreg.gather [hbm4b:s2+s11], $0x1, v1, vm0, $0x4038;
	[tilespmem:$0x1BA00] =	vst v63  }
0x4b: {  	v1 =	vadd.s32 $0x13D6480, v0;
	(ifvalue) =	ssetifvalue $0x7FFFFFFF  }
0x4c: {  	s24 =	sadd.s32 $0x6800, s19;
	(ifvalue) =	ssetifvalue $0x7FFFFFFF  }
0x4d: {  	[tilespmem:s24], [sflag:$0x1] =	stream.indirect_vreg.gather [hbm4b:s2+s11], $0x1, v2, vm0, $0x4038;
	[tilespmem:$0x1BA00] =	vst v63  }
0x4e: {  	v2 =	vadd.s32 $0x13D6500, v0;
	(ifvalue) =	ssetifvalue $0x7FFFFFFF  }
0x4f: {  	s25 =	sadd.s32 $0x6880, s19;
	(ifvalue) =	ssetifvalue $0x7FFFFFFF  }
0x50: {  	[tilespmem:s25], [sflag:$0x1] =	stream.indirect_vreg.gather [hbm4b:s2+s11], $0x1, v1, vm0, $0x4038;
	[tilespmem:$0x1BA00] =	vst v63  }
0x51: {  	v1 =	vadd.s32 $0x13D6580, v0;
	(ifvalue) =	ssetifvalue $0x7FFFFFFF  }
0x52: {  	s26 =	sadd.s32 $0x6900, s19;
	(ifvalue) =	ssetifvalue $0x7FFFFFFF  }
0x53: {  	[tilespmem:s26], [sflag:$0x1] =	stream.indirect_vreg.gather [hbm4b:s2+s11], $0x1, v2, vm0, $0x4038;
	[tilespmem:$0x1BA00] =	vst v63  }
0x54: {  	v2 =	vadd.s32 $0x13D6600, v0;
	(ifvalue) =	ssetifvalue $0x7FFFFFFF  }
0x55: {  	s28 =	sadd.s32 $0x6980, s19;
	(ifvalue) =	ssetifvalue $0x7FFFFFFF  }
0x56: {  	[tilespmem:s28], [sflag:$0x1] =	stream.indirect_vreg.gather [hbm4b:s2+s11], $0x1, v1, vm0, $0x4038;
	[tilespmem:$0x1BA00] =	vst v63  }
0x57: {  	v1 =	vadd.s32 $0x13D6680, v0;
	(ifvalue) =	ssetifvalue $0x7FFFFFFF  }
0x58: {  	s29 =	sadd.s32 $0x6A00, s19;
	(ifvalue) =	ssetifvalue $0x7FFFFFFF  }
0x59: {  	[tilespmem:s29], [sflag:$0x1] =	stream.indirect_vreg.gather [hbm4b:s2+s11], $0x1, v2, vm0, $0x4038;
	[tilespmem:$0x1BA00] =	vst v63  }
0x5a: {  	v2 =	vadd.s32 $0x13D6700, v0;
	(ifvalue) =	ssetifvalue $0x7FFFFFFF  }
0x5b: {  	s30 =	sadd.s32 $0x6A80, s19;
	(ifvalue) =	ssetifvalue $0x7FFFFFFF  }
0x5c: {  	[tilespmem:s30], [sflag:$0x1] =	stream.indirect_vreg.gather [hbm4b:s2+s11], $0x1, v1, vm0, $0x4038;
	[tilespmem:$0x1BA00] =	vst v63  }
0x5d: {  	s18 =	sadd.s32 $0x10, s18;
	v0 =	vadd.s32 $0x13D6780, v0;
	(ifvalue) =	ssetifvalue $0x7FFFFFFF  }
0x5e: {  	s31 =	sadd.s32 $0x6B00, s19;
	s20 =	sadd.s32 $0x6B80, s19;
	(ifvalue) =	ssetifvalue $0x7FFFFFFF  }
0x5f: {  	[tilespmem:s31], [sflag:$0x1] =	stream.indirect_vreg.gather [hbm4b:s2+s11], $0x1, v2, vm0, $0x4038;
	[tilespmem:$0x1BA00] =	vst v63  }
0x60: {  	s19 =	simm.s32 $0x0;
	s17 =	simm.s32 $0x10;
	(ifvalue) =	ssetifvalue $0x7FFFFFFF  }
.LBB2_3:
0x61: {  	(ifvalue) =	ssetifvalue $0x7FFFFFFF;
	s16 =	sadd.s32 $0x80, s16;
	s19 =	sadd.s32 $0x1, s19  }
0x62: {  	[tilespmem:s20], [sflag:$0x1] =	stream.indirect_vreg.gather [hbm4b:s2+s11], $0x1, v0, vm0, $0x4038;
	[tilespmem:$0x1BA00] =	vst v63  }
0x63: {  	p1 =	sne.s32 s17, $0xCF0;
	s20 =	smov.u32 s17;
	s17 =	sadd.s32 $0x10, s17;
	v0 =	vld.msk [tilespmem:s18+$0x0 ss:$0x1], $0xffff  }
0x64: {  	(ifvalue) =	ssetifvalue $0x7FFFFFFF;
	_ =	sdelay $0x4  }
0x65: {  	vm1 =	vgt.s32 v0, $0x0  }
0x66: {  	v0 =	vnsel vm1, $0x0, v0  }
0x67: {  	v0 =	vmin.u32 v0, $0x27AC3F  }
0x68: {  	v1 =	vshll.u32 v0, $0x3  }
0x69: {  	v0 =	vand.u32 $0x7F, v0;
	v1 =	vand.u32 $0x1FFFC00, v1  }
0x6a: {  	v0 =	vor.u32 v0, v1;
	_ =	sdelay $0x1  }
0x6b: {  	s21 =	sand.u32 $0x7C00, s16  }
0x6c: {  	s20 =	sand.u32 $0x70, s20;
	s21 =	sadd.s32 s21, s15;
	v1 =	vor.u32 $0x80, v0  }
0x6d: {  	s20 =	sadd.s32 s20, s21;
	(ifvalue) =	ssetifvalue $0x7FFFFFFF  }
0x6e: {  	[tilespmem:s20], [sflag:$0x1] =	stream.indirect_vreg.gather [hbm4b:s2+s11], $0x1, v0, vm0, $0x4038;
	[tilespmem:$0x1BA00] =	vst v63  }
0x6f: {  	v2 =	vor.u32 $0x100, v0;
	(ifvalue) =	ssetifvalue $0x7FFFFFFF  }
0x70: {  	s21 =	sadd.s32 $0x80, s20;
	(ifvalue) =	ssetifvalue $0x7FFFFFFF  }
0x71: {  	[tilespmem:s21], [sflag:$0x1] =	stream.indirect_vreg.gather [hbm4b:s2+s11], $0x1, v1, vm0, $0x4038;
	[tilespmem:$0x1BA00] =	vst v63  }
0x72: {  	v1 =	vor.u32 $0x180, v0;
	(ifvalue) =	ssetifvalue $0x7FFFFFFF  }
0x73: {  	s21 =	sadd.s32 $0x100, s20;
	(ifvalue) =	ssetifvalue $0x7FFFFFFF  }
0x74: {  	[tilespmem:s21], [sflag:$0x1] =	stream.indirect_vreg.gather [hbm4b:s2+s11], $0x1, v2, vm0, $0x4038;
	[tilespmem:$0x1BA00] =	vst v63  }
0x75: {  	v2 =	vor.u32 $0x200, v0;
	(ifvalue) =	ssetifvalue $0x7FFFFFFF  }
0x76: {  	s21 =	sadd.s32 $0x180, s20;
	(ifvalue) =	ssetifvalue $0x7FFFFFFF  }
0x77: {  	[tilespmem:s21], [sflag:$0x1] =	stream.indirect_vreg.gather [hbm4b:s2+s11], $0x1, v1, vm0, $0x4038;
	[tilespmem:$0x1BA00] =	vst v63  }
0x78: {  	v1 =	vor.u32 $0x280, v0;
	(ifvalue) =	ssetifvalue $0x7FFFFFFF  }
0x79: {  	s21 =	sadd.s32 $0x200, s20;
	(ifvalue) =	ssetifvalue $0x7FFFFFFF  }
0x7a: {  	[tilespmem:s21], [sflag:$0x1] =	stream.indirect_vreg.gather [hbm4b:s2+s11], $0x1, v2, vm0, $0x4038;
	[tilespmem:$0x1BA00] =	vst v63  }
0x7b: {  	v2 =	vor.u32 $0x300, v0;
	(ifvalue) =	ssetifvalue $0x7FFFFFFF  }
0x7c: {  	s21 =	sadd.s32 $0x280, s20;
	(ifvalue) =	ssetifvalue $0x7FFFFFFF  }
0x7d: {  	[tilespmem:s21], [sflag:$0x1] =	stream.indirect_vreg.gather [hbm4b:s2+s11], $0x1, v1, vm0, $0x4038;
	[tilespmem:$0x1BA00] =	vst v63  }
0x7e: {  	s21 =	sand.u32 $0x7, s19;
	v1 =	vor.u32 $0x380, v0;
	(ifvalue) =	ssetifvalue $0x7FFFFFFF  }
0x7f: {  	s22 =	sadd.s32 $0x300, s20;
	s21 =	sshll.u32 s21, $0x4;
	(ifvalue) =	ssetifvalue $0x7FFFFFFF  }
0x80: {  	[tilespmem:s22], [sflag:$0x1] =	stream.indirect_vreg.gather [hbm4b:s2+s11], $0x1, v2, vm0, $0x4038;
	[tilespmem:$0x1BA00] =	vst v63  }
0x81: {  	s21 =	sadd.s32 s21, s16;
	v2 =	vadd.s32 $0x13D6400, v0;
	(ifvalue) =	ssetifvalue $0x7FFFFFFF  }
0x82: {  	s21 =	sor.u32 $0x380, s21;
	(ifvalue) =	ssetifvalue $0x7FFFFFFF  }
0x83: {  	s21 =	sadd.s32 s21, s15  }
0x84: {  	[tilespmem:s21], [sflag:$0x1] =	stream.indirect_vreg.gather [hbm4b:s2+s11], $0x1, v1, vm0, $0x4038;
	v1 =	vadd.s32 $0x13D6480, v0;
	[tilespmem:$0x1BA00] =	vst v63  }
0x85: {  	s21 =	sadd.s32 $0x6800, s20;
	(ifvalue) =	ssetifvalue $0x7FFFFFFF  }
0x86: {  	(ifvalue) =	ssetifvalue $0x7FFFFFFF  }
0x87: {  	[tilespmem:s21], [sflag:$0x1] =	stream.indirect_vreg.gather [hbm4b:s2+s11], $0x1, v2, vm0, $0x4038;
	v2 =	vadd.s32 $0x13D6500, v0;
	[tilespmem:$0x1BA00] =	vst v63  }
0x88: {  	s21 =	sadd.s32 $0x6880, s20;
	(ifvalue) =	ssetifvalue $0x7FFFFFFF  }
0x89: {  	(ifvalue) =	ssetifvalue $0x7FFFFFFF  }
0x8a: {  	[tilespmem:s21], [sflag:$0x1] =	stream.indirect_vreg.gather [hbm4b:s2+s11], $0x1, v1, vm0, $0x4038;
	v1 =	vadd.s32 $0x13D6580, v0;
	[tilespmem:$0x1BA00] =	vst v63  }
0x8b: {  	s21 =	sadd.s32 $0x6900, s20;
	(ifvalue) =	ssetifvalue $0x7FFFFFFF  }
0x8c: {  	(ifvalue) =	ssetifvalue $0x7FFFFFFF  }
0x8d: {  	[tilespmem:s21], [sflag:$0x1] =	stream.indirect_vreg.gather [hbm4b:s2+s11], $0x1, v2, vm0, $0x4038;
	v2 =	vadd.s32 $0x13D6600, v0;
	[tilespmem:$0x1BA00] =	vst v63  }
0x8e: {  	s21 =	sadd.s32 $0x6980, s20;
	(ifvalue) =	ssetifvalue $0x7FFFFFFF  }
0x8f: {  	(ifvalue) =	ssetifvalue $0x7FFFFFFF  }
0x90: {  	[tilespmem:s21], [sflag:$0x1] =	stream.indirect_vreg.gather [hbm4b:s2+s11], $0x1, v1, vm0, $0x4038;
	v1 =	vadd.s32 $0x13D6680, v0;
	[tilespmem:$0x1BA00] =	vst v63  }
0x91: {  	s21 =	sadd.s32 $0x6A00, s20;
	(ifvalue) =	ssetifvalue $0x7FFFFFFF  }
0x92: {  	(ifvalue) =	ssetifvalue $0x7FFFFFFF  }
0x93: {  	[tilespmem:s21], [sflag:$0x1] =	stream.indirect_vreg.gather [hbm4b:s2+s11], $0x1, v2, vm0, $0x4038;
	v2 =	vadd.s32 $0x13D6700, v0;
	[tilespmem:$0x1BA00] =	vst v63  }
0x94: {  	s21 =	sadd.s32 $0x6A80, s20;
	(ifvalue) =	ssetifvalue $0x7FFFFFFF  }
0x95: {  	(ifvalue) =	ssetifvalue $0x7FFFFFFF  }
0x96: {  	[tilespmem:s21], [sflag:$0x1] =	stream.indirect_vreg.gather [hbm4b:s2+s11], $0x1, v1, vm0, $0x4038;
	[tilespmem:$0x1BA00] =	vst v63  }
.Ltmp3:
0x97: {  	v0 =	vadd.s32 $0x13D6780, v0;
	(pc) =	sbr.rel @p1 .LBB2_3-.Ltmp3, $4  }
0x98: {  	s21 =	sadd.s32 $0x6B00, s20;
	(ifvalue) =	ssetifvalue $0x7FFFFFFF  }
0x99: {  	(ifvalue) =	ssetifvalue $0x7FFFFFFF  }
0x9a: {  	[tilespmem:s21], [sflag:$0x1] =	stream.indirect_vreg.gather [hbm4b:s2+s11], $0x1, v2, vm0, $0x4038;
	[tilespmem:$0x1BA00] =	vst v63  }
0x9b: {  	s18 =	sadd.s32 $0x10, s18;
	s20 =	sadd.s32 $0x6B80, s20;
	(ifvalue) =	ssetifvalue $0x7FFFFFFF  }
.Ltmp4:
0x9c: {  	_ = 	snop;
	(pc) =	sbr.rel .LBB2_4-.Ltmp4, $1  }
0x9d: {  	_ =	sdelay $0x3  }
.LBB2_6:
0x9e: {  	_ =	sfence.sel $0x180000  }
0x9f: {  	s2 =	simm.s32 $0x2;
	[bflag:$0x0] =	sbarrier.arrive $0xFFFF  }
0xa0: {  	s30 =	simm.s32 $0x3;
	[sflag:s2] =	ssyncpa.u1 $0x1  }
0xa1: {  	s31 =	simm.s32 $0x1;
	[sflag:s30] =	ssyncpa.u1 $0x1  }
0xa2: {  	[sflag:s31] =	ssyncpa.u1 $0x1  }
0xa3: {  	p0 =	sne.s32 s0, $0x0;
	_ =	strace $0x9000004A  }
0xa4: {  	s0 =	sadd.s32 @!p0 $0x100000, s1;
	[bflag:$0x2] =	sbarrier.arrive $0xFFFF  }
0xa5: {  	[sflag:s0] =	ssyncadd.tile.s32 @!p0 $0x1;
	_ =	shalt  }
.Lfunc_end2:
_tile_overlayer_lowered:
.L_overlay_start_2:
0xa6: {  	(tag) =	ssettag $0x2  }
0xa7: {  	s0 =	rddreg [dreg:$0x0];
	s2 =	stileid.u32  }
0xa8: {  	s1 =	rddreg [dreg:$0x1];
	p0 =	sne.s32 s2, $0x0  }
0xa9: {  	s3 =	rddreg [dreg:$0x2];
	[bflag:$0x3] =	sbarrier.arrive $0xFFFF;
	s2 =	simm.s32 @!p0 $0x1C01  }
0xaa: {  	[timem:s3], [sflag:s2] =	dma.local @!p0 [hbm:s0], s1  }
0xab: {  	s0 =	simm.s32 @!p0 $0x1  }
0xac: {  	_ =	swait.ge @!p0 [sflag:s0], s1  }
0xad: {  	s1 =	ssub.s32 @!p0 $0x0, s1;
	[sflag:s0] =	ssyncset.done @!p0 $0x0  }
0xae: {  	[sflag:s0] =	ssyncadd.s32 @!p0 s1  }
0xaf: {  	[bflag:$0x3] =	sbarrier.arrive $0xFFFF  }
0xb0: {  	_ =	shalt  }

// kernel: kernel.4.cloned.1.call-start
scs
__scs_entry_jumppad:
0x0: {  	(pc) =	sbr.rel $0x88, $3  }
0x1: {  	(tag) =	ssettag $0x0;
	lr =	simm.s32 $0x1  }
0x2: {  	[smem:$0x3F94] =	sst lr;
	_ =	strace $0xD0000000  }
0x3: {  	_ = 	snop  }
0x4: {  	_ = 	snop  }
0x5: {  	_ = 	snop  }
0x6: {  	_ = 	snop  }
0x7: {  	_ = 	snop  }
__scs_overlays_trampoline_lowered:
0x8: {  	[smem:$0x3FA3] =	sst s0  }
0x9: {  	[smem:$0x3FA4] =	sst s1  }
0xa: {  	[smem:$0x3FA5] =	sst s2  }
0xb: {  	[smem:$0x3FA6] =	sst s3  }
0xc: {  	[smem:$0x3FA7] =	sst s4  }
0xd: {  	[smem:$0x3FA8] =	sst s5  }
0xe: {  	[smem:$0x3FA9] =	sst s6  }
0xf: {  	[smem:$0x3FAA] =	sst s7  }
0x10: {  	[smem:$0x3FAB] =	sst s8  }
0x11: {  	[smem:$0x3FAC] =	sst s9;
	s0 =	simm.s32 @!p0 $0x0  }
0x12: {  	s1 =	sld [smem:$0x3F92];
	s0 =	simm.s32 @p0 $0x1  }
0x13: {  	[smem:$0x3FAD] =	sst s0;
	s0 =	simm.s32 @!p1 $0x0  }
0x14: {  	s2 =	sld [smem:$0x3F91];
	s0 =	simm.s32 @p1 $0x1  }
0x15: {  	[smem:$0x3FAE] =	sst s0;
	s0 =	simm.s32 @!p2 $0x0  }
0x16: {  	s3 =	sld [smem:$0x3FDB];
	s0 =	simm.s32 @p2 $0x1  }
0x17: {  	s4 =	simm.s32 $0x1BF5;
	[smem:$0x3FB0] =	sst s0  }
0x18: {  	s0 =	sld [smem:$0x3F93];
	_ =	swait.ge [sflag:s4], $0x0  }
0x19: {  	s7 =	sld [smem:$0x3F94]  }
0x1a: {  	s8 =	sadd.s32 $0xFFFFE003, lr  }
0x1b: {  	s9 =	sadd.s32 $0xFFFFFEF7, lr;
	s5 =	simm.s32 $0xFFFFFFFF;
	p2 =	slt.u32 s8, $0xFFFFF086  }
0x1c: {  	p1 =	slt.u32 s9, $0xF7A;
	s5 =	simm.s32 @!p2 $0x0  }
0x1d: {  	s5 =	simm.s32 @p1 $0x1;
	p0 =	seq.s32 s7, s2  }
0x1e: {  	s7 =	smul.u32 @!p0 $0xF7A, s2;
	p2 =	seq.s32 @!p0 s5, $0x0  }
0x1f: {  	s9 =	smul.u32 $0xF7A, s1;
	s8 =	simm.s32 @!p0 $0x1BF5;
	p2 =	por !p2, p0  }
0x20: {  	[sflag:s8] =	ssyncset.s32 @!p0 $0xFFFFF086;
	s6 =	sadd.s32 @!p0 s3, s7;
	s7 =	simm.s32 @!p0 $0x108  }
0x21: {  	s3 =	sadd.s32 s3, s9;
	s6 =	sadd.s32 @!p0 $0x88, s6;
	s7 =	simm.s32 @p2 $0x1082  }
0x22: {  	[simem:s7], [sflag:s8] =	dma.local @!p0 [hbm:s6], $0xF7A  }
0x23: {  	s9 =	sor.u32 $0xD0000000, s2;
	s6 =	simm.s32 $0x108;
	_ =	swait.ge @!p0 [sflag:s8], $0x0  }
0x24: {  	s3 =	sadd.s32 $0x88, s3;
	s6 =	simm.s32 @!p1 $0x1082;
	[sflag:s4] =	ssyncset.s32 $0xFFFFF086  }
0x25: {  	[simem:s6], [sflag:s4] =	dma.local [hbm:s3], $0xF7A  }
0x26: {  	[smem:$0x3F94] =	sst s1;
	(tag) =	ssettag s2;
	_ =	strace s9  }
0x27: {  	s1 =	sld [smem:$0x3FA4]  }
0x28: {  	s2 =	sld [smem:$0x3FA5]  }
0x29: {  	s4 =	sld [smem:$0x3FA7]  }
0x2a: {  	p0 =	seq.s32 s5, $0x0;
	s5 =	sld [smem:$0x3FA8]  }
0x2b: {  	s6 =	sld [smem:$0x3FA9]  }
0x2c: {  	s7 =	sld [smem:$0x3FAA]  }
0x2d: {  	s3 =	simm.s32 $0x108;
	s8 =	sld [smem:$0x3FAB]  }
0x2e: {  	s3 =	simm.s32 @!p0 $0x1082;
	s9 =	sld [smem:$0x3FAC]  }
0x2f: {  	lr =	sadd.s32 s0, s3;
	s0 =	sld [smem:$0x3FA3]  }
0x30: {  	s3 =	sld [smem:$0x3FA6]  }
0x31: {  	[smem:$0x3FAF] =	sst s10  }
0x32: {  	s10 =	sld [smem:$0x3FAD];
	_ =	sdelay $0x3  }
0x33: {  	p0 =	seq.s32 s10, $0x1;
	s10 =	sld [smem:$0x3FAF];
	_ =	sdelay $0x3  }
0x34: {  	[smem:$0x3FAF] =	sst s10  }
0x35: {  	s10 =	sld [smem:$0x3FAE];
	_ =	sdelay $0x3  }
0x36: {  	p1 =	seq.s32 s10, $0x1;
	s10 =	sld [smem:$0x3FAF];
	_ =	sdelay $0x3  }
0x37: {  	[smem:$0x3FAF] =	sst s10  }
0x38: {  	s10 =	sld [smem:$0x3FB0]  }
0x39: {  	_ = 	snop;
	(pc) =	sbr.ind lr, $3  }
0x3a: {  	_ = 	snop  }
0x3b: {  	_ = 	snop  }
0x3c: {  	p2 =	seq.s32 s10, $0x1;
	s10 =	sld [smem:$0x3FAF]  }
0x3d: {  	_ =	shalt  }
0x3e: {  	_ =	shalt  }
0x3f: {  	_ =	shalt  }
0x40: {  	_ =	shalt  }
0x41: {  	_ =	shalt  }
0x42: {  	_ =	shalt  }
0x43: {  	_ =	shalt  }
0x44: {  	_ =	shalt  }
0x45: {  	_ =	shalt  }
0x46: {  	_ =	shalt  }
0x47: {  	_ =	shalt  }
0x48: {  	_ =	shalt  }
0x49: {  	_ =	shalt  }
0x4a: {  	_ =	shalt  }
0x4b: {  	_ =	shalt  }
0x4c: {  	_ =	shalt  }
0x4d: {  	_ =	shalt  }
0x4e: {  	_ =	shalt  }
0x4f: {  	_ =	shalt  }
0x50: {  	_ =	shalt  }
0x51: {  	_ =	shalt  }
0x52: {  	_ =	shalt  }
0x53: {  	_ =	shalt  }
0x54: {  	_ =	shalt  }
0x55: {  	_ =	shalt  }
0x56: {  	_ =	shalt  }
0x57: {  	_ =	shalt  }
0x58: {  	_ =	shalt  }
0x59: {  	_ =	shalt  }
0x5a: {  	_ =	shalt  }
0x5b: {  	_ =	shalt  }
0x5c: {  	_ =	shalt  }
0x5d: {  	_ =	shalt  }
0x5e: {  	_ =	shalt  }
0x5f: {  	_ =	shalt  }
0x60: {  	_ =	shalt  }
0x61: {  	_ =	shalt  }
0x62: {  	_ =	shalt  }
0x63: {  	_ =	shalt  }
0x64: {  	_ =	shalt  }
0x65: {  	_ =	shalt  }
0x66: {  	_ =	shalt  }
0x67: {  	_ =	shalt  }
0x68: {  	_ =	shalt  }
0x69: {  	_ =	shalt  }
0x6a: {  	_ =	shalt  }
0x6b: {  	_ =	shalt  }
0x6c: {  	_ =	shalt  }
0x6d: {  	_ =	shalt  }
0x6e: {  	_ =	shalt  }
0x6f: {  	_ =	shalt  }
0x70: {  	_ =	shalt  }
0x71: {  	_ =	shalt  }
0x72: {  	_ =	shalt  }
0x73: {  	_ =	shalt  }
0x74: {  	_ =	shalt  }
0x75: {  	_ =	shalt  }
0x76: {  	_ =	shalt  }
0x77: {  	_ =	shalt  }
0x78: {  	_ =	shalt  }
0x79: {  	_ =	shalt  }
0x7a: {  	_ =	shalt  }
0x7b: {  	_ =	shalt  }
0x7c: {  	_ =	shalt  }
0x7d: {  	_ =	shalt  }
0x7e: {  	_ =	shalt  }
0x7f: {  	_ =	shalt  }
0x80: {  	_ =	shalt  }
0x81: {  	_ =	shalt  }
0x82: {  	_ =	shalt  }
0x83: {  	_ =	shalt  }
0x84: {  	_ =	shalt  }
0x85: {  	_ =	shalt  }
0x86: {  	_ =	shalt  }
0x87: {  	_ =	shalt  }
.Lfunc_end0:
.L_simem_size_0:
called_computation.1_lowered:
.L_overlay_start_0:
0x88: {  	s2 =	sld [smem:$0x3FD9]  }
0x89: {  	s3 =	sld [smem:$0x3FFE];
	_ =	sdelay $0x1  }
0x8a: {  	s1 =	srdreg.scid  }
0x8b: {  	s0 =	sand.u32 $0x1, s1  }
0x8c: {  	s16 =	sshll.u32 s0, $0xA;
	s2 =	sadd.s32 s3, s2  }
0x8d: {  	s2 =	sadd.s32 s2, s16  }
0x8e: {  	[smem:$0x3FBB] =	sst s2  }
0x8f: {  	_ = 	snop  }
0x90: {  	(tm) =	ssettm $0x1  }
0x91: {  	s17 =	sld [smem:$0x3FFB];
	_ =	sdelay $0x3  }
0x92: {  	_ =	strace s17  }
0x93: {  	s2 =	sld [smem:$0x3FFC];
	_ =	sdelay $0x3  }
0x94: {  	_ =	strace s2  }
0x95: {  	s2 =	sld [smem:$0x3FFD];
	_ =	sdelay $0x3  }
0x96: {  	_ =	strace s2  }
0x97: {  	_ =	strace $0x8FFFFFFF  }
0x98: {  	s18 =	sld [smem:$0x3FDB];
	_ =	sdelay $0x1  }
0x99: {  	s19 =	simm.s32 $_scs_section_size  }
0x9a: {  	s4 =	simm.s32 $_size__tile_overlayer_lowered;
	s5 =	simm.s32 $_tile_overlayer_lowered  }
0x9b: {  	s22 =	simm.s32 $0x1BFF;
	s21 =	sshll.u32 s5, $0x1;
	s2 =	sadd.s32 s19, s18  }
0x9c: {  	s6 =	simm.s32 $0x0;
	s20 =	sshll.u32 s4, $0x1;
	s4 =	sadd.s32 s21, s2  }
0x9d: {  	[timem:s6], [sflag:s22] =	dma.local [hbm:s4], s20  }
0x9e: {  	_ =	swait.ge [sflag:s22], s20  }
0x9f: {  	s3 =	ssub.s32 $0x0, s20;
	[sflag:s22] =	ssyncset.done $0x0  }
0xa0: {  	[sflag:s22] =	ssyncadd.s32 s3;
	_ =	sdelay $0x1  }
0xa1: {  	s23 =	simm.s32 $0x1B8B  }
0xa2: {  	_ =	swait.ge [sflag:s23], $0x1  }
0xa3: {  	[sflag:s23] =	ssyncset.done $0x0  }
0xa4: {  	s25 =	simm.s32 $0x1B8E;
	s24 =	sld [smem:$0x3FFE];
	[sflag:s23] =	ssyncadd.s32 $0xFFFFFFFF  }
0xa5: {  	s26 =	simm.s32 $execute0_lowered;
	[smem:$0x3FD2] =	sst s25  }
0xa6: {  	s4 =	sshll.u32 s26, $0x1;
	_ =	strace $0x80000046;
	[dreg:$0x1] =	wrdreg $0xFFFFFFFF  }
0xa7: {  	s28 =	simm.s32 $_size_execute0_lowered;
	s2 =	sadd.s32 s2, s4;
	[dreg:$0x0] =	wrdreg $0x0  }
0xa8: {  	s4 =	sshll.u32 s28, $0x1;
	[dreg:$0x2] =	wrdreg s2  }
0xa9: {  	[dreg:$0x3] =	wrdreg s4  }
0xaa: {  	[dreg:$0x4] =	wrdreg $0xC0  }
0xab: {  	_ =	task [dreg:s6], $0x5FFFF  }
0xac: {  	[dreg:$0x1] =	wrdreg $0xFFFFFFFF  }
0xad: {  	[dreg:$0x0] =	wrdreg $0x60  }
0xae: {  	[dreg:$0x2] =	wrdreg s24  }
0xaf: {  	[dreg:$0x3] =	wrdreg $0xA  }
0xb0: {  	_ =	task.clear_ibuf [dreg:s6], $0x4FFFF;
	_ =	strace $0x90000046  }
0xb1: {  	s29 =	simm.s32 $0xA;
	_ =	strace $0x80000048  }
0xb2: {  	_ =	swait.ge [sflag:s29], $0x1  }
0xb3: {  	[sflag:s29] =	ssyncadd.s32 $0xFFFFFFFF  }
0xb4: {  	_ =	strace $0x90000048  }
0xb5: {  	_ =	sfence  }
0xb6: {  	s30 =	sld [smem:$0x0];
	_ =	sdelay $0x2  }
0xb7: {  	s31 =	sshll.u32 s1, $0xD;
	s1 =	sshrl.u32 s1, $0x2  }
0xb8: {  	s3 =	sand.u32 $0x4000, s31;
	s1 =	sadd.s32 s1, s30  }
0xb9: {  	s0 =	sor.u32 s3, s0;
	s1 =	sshll.u32 s1, $0x11  }
0xba: {  	s0 =	sor.u32 s1, s0  }
0xbb: {  	s0 =	sadd.s32 $0x8F2B, s0  }
0xbc: {  	[sflag:s0] =	ssyncadd.remote.s32 $0x1  }
0xbd: {  	_ =	sfence.sel $0xFFFF  }
0xbe: {  	[dreg:$0x0] =	wrdreg $0xFFFFFFFF;
	(pc) =	sbr.abs _section_cstart, $3  }
0xbf: {  	[dreg:$0x1] =	wrdreg $0xFFFFFFFF  }
0xc0: {  	_ =	task.clear_ibuf [dreg:s6], $0x2FFFF;
	_ =	strace $0x9FFFFFFF  }
0xc1: {  	(tm) =	ssettm $0x7FFFFFFF  }
tec
execute0_lowered:
.L_overlay_start_1:
0x0: {  	(tag) =	ssettag $0x1  }
0x1: {  	s0 =	srdreg.scid;
	s2 =	stileid.u32  }
0x2: {  	s1 =	sand.u32 $0x1, s0;
	s20 =	sshll.u32 s2, $0x1  }
0x3: {  	s2 =	sor.u32 s1, s20  }
0x4: {  	s0 =	rddreg [dreg:$0x0];
	s3 =	smul.u32 $0x1A0, s2;
	s2 =	simm.s32 $0x0  }
0x5: {  	s21 =	simm.s32 $0xD80;
	[smem:$0x7FF] =	sst s2  }
0x6: {  	s22 =	simm.s32 $0x100;
	_ =	strace $0x80000047;
	[dreg:$0x4] =	wrdreg s21  }
0x7: {  	s23 =	simm.s32 $0xE00;
	[dreg:$0x5] =	wrdreg s22  }
0x8: {  	s24 =	simm.s32 $0x180;
	[dreg:$0x6] =	wrdreg s23  }
0x9: {  	s25 =	simm.s32 $0xE80;
	[dreg:$0x7] =	wrdreg s24  }
0xa: {  	s26 =	simm.s32 $0x200;
	[dreg:$0x8] =	wrdreg s25  }
0xb: {  	s5 =	simm.s32 $0x280;
	[dreg:$0x9] =	wrdreg s26  }
0xc: {  	s6 =	simm.s32 $0xF80;
	[dreg:$0xb] =	wrdreg s5  }
0xd: {  	s7 =	simm.s32 $0x300;
	[dreg:$0xc] =	wrdreg s6  }
0xe: {  	s8 =	simm.s32 $0x1000;
	[dreg:$0xd] =	wrdreg s7  }
0xf: {  	s9 =	simm.s32 $0x380;
	[dreg:$0xe] =	wrdreg s8  }
0x10: {  	s10 =	simm.s32 $0x1080;
	[dreg:$0xf] =	wrdreg s9  }
0x11: {  	s11 =	simm.s32 $0x400;
	[dreg:$0x10] =	wrdreg s10  }
0x12: {  	s12 =	simm.s32 $0x1100;
	[dreg:$0x11] =	wrdreg s11  }
0x13: {  	s13 =	simm.s32 $0x480;
	[dreg:$0x12] =	wrdreg s12  }
0x14: {  	s14 =	simm.s32 $0x1180;
	[dreg:$0x13] =	wrdreg s13  }
0x15: {  	s15 =	simm.s32 $0x500;
	[dreg:$0x14] =	wrdreg s14  }
0x16: {  	s16 =	simm.s32 $0x1200;
	[dreg:$0x15] =	wrdreg s15  }
0x17: {  	s17 =	simm.s32 $0x580;
	[dreg:$0x16] =	wrdreg s16  }
0x18: {  	s18 =	simm.s32 $0x1280;
	[dreg:$0x17] =	wrdreg s17  }
0x19: {  	s19 =	simm.s32 $0x600;
	[dreg:$0x18] =	wrdreg s18  }
0x1a: {  	s20 =	simm.s32 $0x1300;
	[dreg:$0x19] =	wrdreg s19  }
0x1b: {  	[dreg:$0x1a] =	wrdreg s20;
	s21 =	simm.s32 $0x680  }
0x1c: {  	s22 =	simm.s32 $0x1380;
	[dreg:$0x1b] =	wrdreg s21  }
0x1d: {  	s3 =	sadd.s32 s3, s0;
	s5 =	simm.s32 $0x700;
	[dreg:$0x1c] =	wrdreg s22  }
0x1e: {  	s4 =	sadd.s32 $0x50E00, s3;
	[dreg:$0x1d] =	wrdreg s5  }
0x1f: {  	s3 =	sadd.s32 $0x54200, s3;
	[dreg:$0x2] =	wrdreg s4  }
0x20: {  	[dreg:$0x3] =	wrdreg s3;
	s4 =	simm.s32 $0xF00  }
0x21: {  	[dreg:$0xa] =	wrdreg s4  }
0x22: {  	s3 =	simm.s32 $0x2;
	s4 =	rddreg [dreg:$0x2]  }
0x23: {  	[tilespmem:s2], [sflag:$0x2] =	stream.linear.gather [hbm4b:s4+s2], $0xD00, $0x38;
	[tilespmem:$0x1A00] =	vst v63  }
0x24: {  	_ =	swait.ge [sflag:s3], $0xD00  }
0x25: {  	s7 =	rddreg [dreg:$0x1c]  }
0x26: {  	s8 =	rddreg [dreg:$0x1a]  }
0x27: {  	s9 =	rddreg [dreg:$0x18]  }
0x28: {  	s10 =	rddreg [dreg:$0x16]  }
0x29: {  	s11 =	rddreg [dreg:$0x14]  }
0x2a: {  	s12 =	rddreg [dreg:$0x12]  }
0x2b: {  	s13 =	rddreg [dreg:$0x10]  }
0x2c: {  	s14 =	rddreg [dreg:$0xe]  }
0x2d: {  	s15 =	rddreg [dreg:$0xc]  }
0x2e: {  	s6 =	simm.s32 $0x80;
	s16 =	rddreg [dreg:$0xa]  }
0x2f: {  	s5 =	sadd.s32 $0x1800, s0;
	s23 =	rddreg [dreg:$0x5];
	[sflag:s3] =	ssyncset.done $0x0  }
0x30: {  	s4 =	simm.s32 $0xD00;
	s17 =	rddreg [dreg:$0x4];
	[sflag:s3] =	ssyncadd.s32 $0xFFFFF300  }
0x31: {  	[tilespmem:s4], [sflag:$0x1] =	stream.indirect.gather [hbm4b:s5+s6], $0x1, s2, s6, $0xb8;
	[tilespmem:$0x1A00] =	vst v63  }
0x32: {  	s18 =	rddreg [dreg:$0x6]  }
0x33: {  	[tilespmem:s17], [sflag:$0x1] =	stream.indirect.gather [hbm4b:s5+s6], $0x1, s6, s6, $0xb8;
	[tilespmem:$0x1A00] =	vst v63  }
0x34: {  	s19 =	rddreg [dreg:$0x8]  }
0x35: {  	[tilespmem:s18], [sflag:$0x1] =	stream.indirect.gather [hbm4b:s5+s6], $0x1, s23, s6, $0xb8;
	[tilespmem:$0x1A00] =	vst v63  }
0x36: {  	s24 =	rddreg [dreg:$0x7]  }
0x37: {  	[tilespmem:s19], [sflag:$0x1] =	stream.indirect.gather [hbm4b:s5+s6], $0x1, s24, s6, $0xb8;
	[tilespmem:$0x1A00] =	vst v63  }
0x38: {  	s25 =	rddreg [dreg:$0x9]  }
0x39: {  	[tilespmem:s16], [sflag:$0x1] =	stream.indirect.gather [hbm4b:s5+s6], $0x1, s25, s6, $0xb8;
	[tilespmem:$0x1A00] =	vst v63  }
0x3a: {  	s26 =	rddreg [dreg:$0xb]  }
0x3b: {  	[tilespmem:s15], [sflag:$0x1] =	stream.indirect.gather [hbm4b:s5+s6], $0x1, s26, s6, $0xb8;
	[tilespmem:$0x1A00] =	vst v63  }
0x3c: {  	s16 =	rddreg [dreg:$0xd]  }
0x3d: {  	[tilespmem:s14], [sflag:$0x1] =	stream.indirect.gather [hbm4b:s5+s6], $0x1, s16, s6, $0xb8;
	[tilespmem:$0x1A00] =	vst v63  }
0x3e: {  	s18 =	rddreg [dreg:$0xf]  }
0x3f: {  	[tilespmem:s13], [sflag:$0x1] =	stream.indirect.gather [hbm4b:s5+s6], $0x1, s18, s6, $0xb8;
	[tilespmem:$0x1A00] =	vst v63  }
0x40: {  	s19 =	rddreg [dreg:$0x11]  }
0x41: {  	[tilespmem:s12], [sflag:$0x1] =	stream.indirect.gather [hbm4b:s5+s6], $0x1, s19, s6, $0xb8;
	[tilespmem:$0x1A00] =	vst v63  }
0x42: {  	s20 =	rddreg [dreg:$0x13]  }
0x43: {  	[tilespmem:s11], [sflag:$0x1] =	stream.indirect.gather [hbm4b:s5+s6], $0x1, s20, s6, $0xb8;
	[tilespmem:$0x1A00] =	vst v63  }
0x44: {  	s21 =	rddreg [dreg:$0x15]  }
0x45: {  	[tilespmem:s10], [sflag:$0x1] =	stream.indirect.gather [hbm4b:s5+s6], $0x1, s21, s6, $0xb8;
	[tilespmem:$0x1A00] =	vst v63  }
0x46: {  	s22 =	rddreg [dreg:$0x17]  }
0x47: {  	[tilespmem:s9], [sflag:$0x1] =	stream.indirect.gather [hbm4b:s5+s6], $0x1, s22, s6, $0xb8;
	[tilespmem:$0x1A00] =	vst v63  }
0x48: {  	s23 =	rddreg [dreg:$0x19]  }
0x49: {  	[tilespmem:s8], [sflag:$0x1] =	stream.indirect.gather [hbm4b:s5+s6], $0x1, s23, s6, $0xb8;
	[tilespmem:$0x1A00] =	vst v63  }
0x4a: {  	s24 =	rddreg [dreg:$0x1b]  }
0x4b: {  	[tilespmem:s7], [sflag:$0x1] =	stream.indirect.gather [hbm4b:s5+s6], $0x1, s24, s6, $0xb8;
	[tilespmem:$0x1A00] =	vst v63  }
0x4c: {  	s25 =	rddreg [dreg:$0x1d];
	s26 =	simm.s32 $0x1400  }
0x4d: {  	[tilespmem:s26], [sflag:$0x1] =	stream.indirect.gather [hbm4b:s5+s6], $0x1, s25, s6, $0xb8;
	[tilespmem:$0x1A00] =	vst v63  }
0x4e: {  	s8 =	simm.s32 $0x1480;
	s7 =	simm.s32 $0x780  }
0x4f: {  	[tilespmem:s8], [sflag:$0x1] =	stream.indirect.gather [hbm4b:s5+s6], $0x1, s7, s6, $0xb8;
	[tilespmem:$0x1A00] =	vst v63  }
0x50: {  	s10 =	simm.s32 $0x1500;
	s9 =	simm.s32 $0x800  }
0x51: {  	[tilespmem:s10], [sflag:$0x1] =	stream.indirect.gather [hbm4b:s5+s6], $0x1, s9, s6, $0xb8;
	[tilespmem:$0x1A00] =	vst v63  }
0x52: {  	s12 =	simm.s32 $0x1580;
	s11 =	simm.s32 $0x880  }
0x53: {  	[tilespmem:s12], [sflag:$0x1] =	stream.indirect.gather [hbm4b:s5+s6], $0x1, s11, s6, $0xb8;
	[tilespmem:$0x1A00] =	vst v63  }
0x54: {  	s14 =	simm.s32 $0x1600;
	s13 =	simm.s32 $0x900  }
0x55: {  	[tilespmem:s14], [sflag:$0x1] =	stream.indirect.gather [hbm4b:s5+s6], $0x1, s13, s6, $0xb8;
	[tilespmem:$0x1A00] =	vst v63  }
0x56: {  	s15 =	simm.s32 $0x980;
	s16 =	simm.s32 $0x1680  }
0x57: {  	[tilespmem:s16], [sflag:$0x1] =	stream.indirect.gather [hbm4b:s5+s6], $0x1, s15, s6, $0xb8;
	[tilespmem:$0x1A00] =	vst v63  }
0x58: {  	s17 =	simm.s32 $0xA00;
	s18 =	simm.s32 $0x1700  }
0x59: {  	[tilespmem:s18], [sflag:$0x1] =	stream.indirect.gather [hbm4b:s5+s6], $0x1, s17, s6, $0xb8;
	[tilespmem:$0x1A00] =	vst v63  }
0x5a: {  	s20 =	simm.s32 $0xA80;
	s21 =	simm.s32 $0x1780  }
0x5b: {  	[tilespmem:s21], [sflag:$0x1] =	stream.indirect.gather [hbm4b:s5+s6], $0x1, s20, s6, $0xb8;
	[tilespmem:$0x1A00] =	vst v63  }
0x5c: {  	s22 =	simm.s32 $0xB00;
	s23 =	simm.s32 $0x1800  }
0x5d: {  	[tilespmem:s23], [sflag:$0x1] =	stream.indirect.gather [hbm4b:s5+s6], $0x1, s22, s6, $0xb8;
	[tilespmem:$0x1A00] =	vst v63  }
0x5e: {  	s25 =	simm.s32 $0xB80;
	s26 =	simm.s32 $0x1880  }
0x5f: {  	[tilespmem:s26], [sflag:$0x1] =	stream.indirect.gather [hbm4b:s5+s6], $0x1, s25, s6, $0xb8;
	[tilespmem:$0x1A00] =	vst v63  }
0x60: {  	s28 =	simm.s32 $0xC00;
	s29 =	simm.s32 $0x1900  }
0x61: {  	[tilespmem:s29], [sflag:$0x1] =	stream.indirect.gather [hbm4b:s5+s6], $0x1, s28, s6, $0xb8;
	[tilespmem:$0x1A00] =	vst v63  }
0x62: {  	s30 =	simm.s32 $0xC80;
	s31 =	simm.s32 $0x1980;
	s24 =	simm.s32 $0x1  }
0x63: {  	[tilespmem:s31], [sflag:$0x1] =	stream.indirect.gather [hbm4b:s5+s6], $0x1, s30, s6, $0xb8;
	[tilespmem:$0x1A00] =	vst v63  }
0x64: {  	_ =	swait.ge [sflag:s24], $0x80  }
0x65: {  	[sflag:s24] =	ssyncset.done $0x0  }
0x66: {  	[sflag:s24] =	ssyncadd.s32 $0xFFFFFF80  }
0x67: {  	_ =	swait.ge [sflag:s24], $0x80  }
0x68: {  	[sflag:s24] =	ssyncset.done $0x0  }
0x69: {  	[sflag:s24] =	ssyncadd.s32 $0xFFFFFF80  }
0x6a: {  	_ =	swait.ge [sflag:s24], $0x80  }
0x6b: {  	[sflag:s24] =	ssyncset.done $0x0  }
0x6c: {  	[sflag:s24] =	ssyncadd.s32 $0xFFFFFF80  }
0x6d: {  	_ =	swait.ge [sflag:s24], $0x80  }
0x6e: {  	[sflag:s24] =	ssyncset.done $0x0  }
0x6f: {  	[sflag:s24] =	ssyncadd.s32 $0xFFFFFF80  }
0x70: {  	_ =	swait.ge [sflag:s24], $0x80  }
0x71: {  	[sflag:s24] =	ssyncset.done $0x0  }
0x72: {  	[sflag:s24] =	ssyncadd.s32 $0xFFFFFF80  }
0x73: {  	_ =	swait.ge [sflag:s24], $0x80  }
0x74: {  	[sflag:s24] =	ssyncset.done $0x0  }
0x75: {  	[sflag:s24] =	ssyncadd.s32 $0xFFFFFF80  }
0x76: {  	_ =	swait.ge [sflag:s24], $0x80  }
0x77: {  	[sflag:s24] =	ssyncset.done $0x0  }
0x78: {  	[sflag:s24] =	ssyncadd.s32 $0xFFFFFF80  }
0x79: {  	_ =	swait.ge [sflag:s24], $0x80  }
0x7a: {  	[sflag:s24] =	ssyncset.done $0x0  }
0x7b: {  	[sflag:s24] =	ssyncadd.s32 $0xFFFFFF80  }
0x7c: {  	_ =	swait.ge [sflag:s24], $0x80  }
0x7d: {  	[sflag:s24] =	ssyncset.done $0x0  }
0x7e: {  	[sflag:s24] =	ssyncadd.s32 $0xFFFFFF80  }
0x7f: {  	_ =	swait.ge [sflag:s24], $0x80  }
0x80: {  	[sflag:s24] =	ssyncset.done $0x0  }
0x81: {  	[sflag:s24] =	ssyncadd.s32 $0xFFFFFF80  }
0x82: {  	_ =	swait.ge [sflag:s24], $0x80  }
0x83: {  	[sflag:s24] =	ssyncset.done $0x0  }
0x84: {  	[sflag:s24] =	ssyncadd.s32 $0xFFFFFF80  }
0x85: {  	_ =	swait.ge [sflag:s24], $0x80  }
0x86: {  	[sflag:s24] =	ssyncset.done $0x0  }
0x87: {  	[sflag:s24] =	ssyncadd.s32 $0xFFFFFF80  }
0x88: {  	_ =	swait.ge [sflag:s24], $0x80  }
0x89: {  	[sflag:s24] =	ssyncset.done $0x0  }
0x8a: {  	[sflag:s24] =	ssyncadd.s32 $0xFFFFFF80  }
0x8b: {  	_ =	swait.ge [sflag:s24], $0x80  }
0x8c: {  	[sflag:s24] =	ssyncset.done $0x0  }
0x8d: {  	[sflag:s24] =	ssyncadd.s32 $0xFFFFFF80  }
0x8e: {  	_ =	swait.ge [sflag:s24], $0x80  }
0x8f: {  	[sflag:s24] =	ssyncset.done $0x0  }
0x90: {  	[sflag:s24] =	ssyncadd.s32 $0xFFFFFF80  }
0x91: {  	_ =	swait.ge [sflag:s24], $0x80  }
0x92: {  	[sflag:s24] =	ssyncset.done $0x0  }
0x93: {  	[sflag:s24] =	ssyncadd.s32 $0xFFFFFF80  }
0x94: {  	_ =	swait.ge [sflag:s24], $0x80  }
0x95: {  	[sflag:s24] =	ssyncset.done $0x0  }
0x96: {  	[sflag:s24] =	ssyncadd.s32 $0xFFFFFF80  }
0x97: {  	_ =	swait.ge [sflag:s24], $0x80  }
0x98: {  	[sflag:s24] =	ssyncset.done $0x0  }
0x99: {  	[sflag:s24] =	ssyncadd.s32 $0xFFFFFF80  }
0x9a: {  	_ =	swait.ge [sflag:s24], $0x80  }
0x9b: {  	[sflag:s24] =	ssyncset.done $0x0  }
0x9c: {  	[sflag:s24] =	ssyncadd.s32 $0xFFFFFF80  }
0x9d: {  	_ =	swait.ge [sflag:s24], $0x80  }
0x9e: {  	[sflag:s24] =	ssyncset.done $0x0  }
0x9f: {  	[sflag:s24] =	ssyncadd.s32 $0xFFFFFF80  }
0xa0: {  	s19 =	ssub.s32 $0x2, s1;
	_ =	swait.ge [sflag:s24], $0x80  }
0xa1: {  	s1 =	sshrl.u32 s19, $0x1;
	[sflag:s24] =	ssyncset.done $0x0  }
0xa2: {  	s0 =	ssub.s32 s19, s1;
	[sflag:s24] =	ssyncadd.s32 $0xFFFFFF80  }
0xa3: {  	s0 =	smax.u32 s0, $0x1;
	_ =	swait.ge [sflag:s24], $0x80  }
0xa4: {  	p0 =	sne.s32 s0, $0x1;
	[sflag:s24] =	ssyncset.done $0x0  }
.Ltmp0:
0xa5: {  	[sflag:s24] =	ssyncadd.s32 $0xFFFFFF80;
	(pc) =	sbr.rel @!p0 .LBB2_2-.Ltmp0, $4  }
0xa6: {  	_ =	swait.ge [sflag:s24], $0x80  }
0xa7: {  	[sflag:s24] =	ssyncset.done $0x0  }
0xa8: {  	[sflag:s24] =	ssyncadd.s32 $0xFFFFFF80  }
0xa9: {  	s1 =	sadd.s32 $0xFFFFFFFF, s0;
	_ =	swait.ge [sflag:s24], $0x80  }
.LBB2_1:
0xaa: {  	[sflag:s24] =	ssyncset.done $0x0  }
0xab: {  	[sflag:s24] =	ssyncadd.s32 $0xFFFFFF80  }
0xac: {  	_ =	swait.ge [sflag:s24], $0x80  }
0xad: {  	[sflag:s24] =	ssyncset.done $0x0  }
0xae: {  	[sflag:s24] =	ssyncadd.s32 $0xFFFFFF80  }
0xaf: {  	_ =	swait.ge [sflag:s24], $0x80  }
0xb0: {  	[sflag:s24] =	ssyncset.done $0x0  }
0xb1: {  	s0 =	rddreg [dreg:$0x3];
	[sflag:s24] =	ssyncadd.s32 $0xFFFFFF80  }
0xb2: {  	[hbm4b:s0+s2] =	stream.linear.scatter [tilespmem:s4], [sflag:$0x2], $0xD00, $0x38;
	[tilespmem:$0x1A00] =	vst v63  }
0xb3: {  	_ =	swait.ge [sflag:s3], $0xD00  }
0xb4: {  	[sflag:s3] =	ssyncset.done $0x0  }
0xb5: {  	s17 =	rddreg [dreg:$0x2];
	[sflag:s3] =	ssyncadd.s32 $0xFFFFF300  }
0xb6: {  	[tilespmem:s2], [sflag:$0x2] =	stream.linear.gather [hbm4b:s17+s2], $0xD00, $0x38;
	[tilespmem:$0x1A00] =	vst v63  }
0xb7: {  	_ =	swait.ge [sflag:s3], $0xD00  }
0xb8: {  	s0 =	rddreg [dreg:$0x1c]  }
0xb9: {  	s7 =	rddreg [dreg:$0x1a]  }
0xba: {  	s8 =	rddreg [dreg:$0x18]  }
0xbb: {  	s9 =	rddreg [dreg:$0x16]  }
0xbc: {  	s10 =	rddreg [dreg:$0x14]  }
0xbd: {  	s11 =	rddreg [dreg:$0x12]  }
0xbe: {  	s12 =	rddreg [dreg:$0x10]  }
0xbf: {  	s13 =	rddreg [dreg:$0xe]  }
0xc0: {  	s14 =	rddreg [dreg:$0xc]  }
0xc1: {  	s15 =	rddreg [dreg:$0xa]  }
0xc2: {  	s16 =	rddreg [dreg:$0x5];
	[sflag:s3] =	ssyncset.done $0x0  }
0xc3: {  	s17 =	rddreg [dreg:$0x4];
	[sflag:s3] =	ssyncadd.s32 $0xFFFFF300  }
0xc4: {  	[tilespmem:s4], [sflag:$0x1] =	stream.indirect.gather [hbm4b:s5+s6], $0x1, s2, s6, $0xb8;
	[tilespmem:$0x1A00] =	vst v63  }
0xc5: {  	s18 =	rddreg [dreg:$0x6]  }
0xc6: {  	[tilespmem:s17], [sflag:$0x1] =	stream.indirect.gather [hbm4b:s5+s6], $0x1, s6, s6, $0xb8;
	[tilespmem:$0x1A00] =	vst v63  }
0xc7: {  	s19 =	rddreg [dreg:$0x8]  }
0xc8: {  	[tilespmem:s18], [sflag:$0x1] =	stream.indirect.gather [hbm4b:s5+s6], $0x1, s16, s6, $0xb8;
	[tilespmem:$0x1A00] =	vst v63  }
0xc9: {  	s17 =	rddreg [dreg:$0x7]  }
0xca: {  	[tilespmem:s19], [sflag:$0x1] =	stream.indirect.gather [hbm4b:s5+s6], $0x1, s17, s6, $0xb8;
	[tilespmem:$0x1A00] =	vst v63  }
0xcb: {  	s18 =	rddreg [dreg:$0x9]  }
0xcc: {  	[tilespmem:s15], [sflag:$0x1] =	stream.indirect.gather [hbm4b:s5+s6], $0x1, s18, s6, $0xb8;
	[tilespmem:$0x1A00] =	vst v63  }
0xcd: {  	s19 =	rddreg [dreg:$0xb]  }
0xce: {  	[tilespmem:s14], [sflag:$0x1] =	stream.indirect.gather [hbm4b:s5+s6], $0x1, s19, s6, $0xb8;
	[tilespmem:$0x1A00] =	vst v63  }
0xcf: {  	s16 =	rddreg [dreg:$0xd]  }
0xd0: {  	[tilespmem:s13], [sflag:$0x1] =	stream.indirect.gather [hbm4b:s5+s6], $0x1, s16, s6, $0xb8;
	[tilespmem:$0x1A00] =	vst v63  }
0xd1: {  	s17 =	rddreg [dreg:$0xf]  }
0xd2: {  	[tilespmem:s12], [sflag:$0x1] =	stream.indirect.gather [hbm4b:s5+s6], $0x1, s17, s6, $0xb8;
	[tilespmem:$0x1A00] =	vst v63  }
0xd3: {  	s18 =	rddreg [dreg:$0x11]  }
0xd4: {  	[tilespmem:s11], [sflag:$0x1] =	stream.indirect.gather [hbm4b:s5+s6], $0x1, s18, s6, $0xb8;
	[tilespmem:$0x1A00] =	vst v63  }
0xd5: {  	s19 =	rddreg [dreg:$0x13]  }
0xd6: {  	[tilespmem:s10], [sflag:$0x1] =	stream.indirect.gather [hbm4b:s5+s6], $0x1, s19, s6, $0xb8;
	[tilespmem:$0x1A00] =	vst v63  }
0xd7: {  	s14 =	rddreg [dreg:$0x15]  }
0xd8: {  	[tilespmem:s9], [sflag:$0x1] =	stream.indirect.gather [hbm4b:s5+s6], $0x1, s14, s6, $0xb8;
	[tilespmem:$0x1A00] =	vst v63  }
0xd9: {  	s15 =	rddreg [dreg:$0x17]  }
0xda: {  	[tilespmem:s8], [sflag:$0x1] =	stream.indirect.gather [hbm4b:s5+s6], $0x1, s15, s6, $0xb8;
	[tilespmem:$0x1A00] =	vst v63  }
0xdb: {  	s16 =	rddreg [dreg:$0x19]  }
0xdc: {  	[tilespmem:s7], [sflag:$0x1] =	stream.indirect.gather [hbm4b:s5+s6], $0x1, s16, s6, $0xb8;
	[tilespmem:$0x1A00] =	vst v63  }
0xdd: {  	s17 =	rddreg [dreg:$0x1b]  }
0xde: {  	[tilespmem:s0], [sflag:$0x1] =	stream.indirect.gather [hbm4b:s5+s6], $0x1, s17, s6, $0xb8;
	[tilespmem:$0x1A00] =	vst v63  }
0xdf: {  	s18 =	rddreg [dreg:$0x1d];
	s19 =	simm.s32 $0x1400  }
0xe0: {  	[tilespmem:s19], [sflag:$0x1] =	stream.indirect.gather [hbm4b:s5+s6], $0x1, s18, s6, $0xb8;
	[tilespmem:$0x1A00] =	vst v63  }
0xe1: {  	s9 =	simm.s32 $0x1480;
	s8 =	simm.s32 $0x780  }
0xe2: {  	[tilespmem:s9], [sflag:$0x1] =	stream.indirect.gather [hbm4b:s5+s6], $0x1, s8, s6, $0xb8;
	[tilespmem:$0x1A00] =	vst v63  }
0xe3: {  	s11 =	simm.s32 $0x1500;
	s10 =	simm.s32 $0x800  }
0xe4: {  	[tilespmem:s11], [sflag:$0x1] =	stream.indirect.gather [hbm4b:s5+s6], $0x1, s10, s6, $0xb8;
	[tilespmem:$0x1A00] =	vst v63  }
0xe5: {  	s13 =	simm.s32 $0x1580;
	s12 =	simm.s32 $0x880  }
0xe6: {  	[tilespmem:s13], [sflag:$0x1] =	stream.indirect.gather [hbm4b:s5+s6], $0x1, s12, s6, $0xb8;
	[tilespmem:$0x1A00] =	vst v63  }
0xe7: {  	s14 =	simm.s32 $0x900;
	s15 =	simm.s32 $0x1600  }
0xe8: {  	[tilespmem:s15], [sflag:$0x1] =	stream.indirect.gather [hbm4b:s5+s6], $0x1, s14, s6, $0xb8;
	[tilespmem:$0x1A00] =	vst v63  }
0xe9: {  	s16 =	simm.s32 $0x980;
	s17 =	simm.s32 $0x1680  }
0xea: {  	[tilespmem:s17], [sflag:$0x1] =	stream.indirect.gather [hbm4b:s5+s6], $0x1, s16, s6, $0xb8;
	[tilespmem:$0x1A00] =	vst v63  }
0xeb: {  	s18 =	simm.s32 $0xA00;
	s19 =	simm.s32 $0x1700  }
0xec: {  	[tilespmem:s19], [sflag:$0x1] =	stream.indirect.gather [hbm4b:s5+s6], $0x1, s18, s6, $0xb8;
	[tilespmem:$0x1A00] =	vst v63  }
0xed: {  	_ = 	snop  }
0xee: {  	[tilespmem:s21], [sflag:$0x1] =	stream.indirect.gather [hbm4b:s5+s6], $0x1, s20, s6, $0xb8;
	[tilespmem:$0x1A00] =	vst v63  }
0xef: {  	_ = 	snop  }
0xf0: {  	[tilespmem:s23], [sflag:$0x1] =	stream.indirect.gather [hbm4b:s5+s6], $0x1, s22, s6, $0xb8;
	[tilespmem:$0x1A00] =	vst v63  }
0xf1: {  	_ = 	snop  }
0xf2: {  	[tilespmem:s26], [sflag:$0x1] =	stream.indirect.gather [hbm4b:s5+s6], $0x1, s25, s6, $0xb8;
	[tilespmem:$0x1A00] =	vst v63  }
0xf3: {  	_ = 	snop  }
0xf4: {  	[tilespmem:s29], [sflag:$0x1] =	stream.indirect.gather [hbm4b:s5+s6], $0x1, s28, s6, $0xb8;
	[tilespmem:$0x1A00] =	vst v63  }
0xf5: {  	_ = 	snop  }
0xf6: {  	[tilespmem:s31], [sflag:$0x1] =	stream.indirect.gather [hbm4b:s5+s6], $0x1, s30, s6, $0xb8;
	[tilespmem:$0x1A00] =	vst v63  }
0xf7: {  	_ =	swait.ge [sflag:s24], $0x80  }
0xf8: {  	[sflag:s24] =	ssyncset.done $0x0  }
0xf9: {  	[sflag:s24] =	ssyncadd.s32 $0xFFFFFF80  }
0xfa: {  	_ =	swait.ge [sflag:s24], $0x80  }
0xfb: {  	[sflag:s24] =	ssyncset.done $0x0  }
0xfc: {  	[sflag:s24] =	ssyncadd.s32 $0xFFFFFF80  }
0xfd: {  	_ =	swait.ge [sflag:s24], $0x80  }
0xfe: {  	[sflag:s24] =	ssyncset.done $0x0  }
0xff: {  	[sflag:s24] =	ssyncadd.s32 $0xFFFFFF80  }
0x100: {  	_ =	swait.ge [sflag:s24], $0x80  }
0x101: {  	[sflag:s24] =	ssyncset.done $0x0  }
0x102: {  	[sflag:s24] =	ssyncadd.s32 $0xFFFFFF80  }
0x103: {  	_ =	swait.ge [sflag:s24], $0x80  }
0x104: {  	[sflag:s24] =	ssyncset.done $0x0  }
0x105: {  	[sflag:s24] =	ssyncadd.s32 $0xFFFFFF80  }
0x106: {  	_ =	swait.ge [sflag:s24], $0x80  }
0x107: {  	[sflag:s24] =	ssyncset.done $0x0  }
0x108: {  	[sflag:s24] =	ssyncadd.s32 $0xFFFFFF80  }
0x109: {  	_ =	swait.ge [sflag:s24], $0x80  }
0x10a: {  	[sflag:s24] =	ssyncset.done $0x0  }
0x10b: {  	[sflag:s24] =	ssyncadd.s32 $0xFFFFFF80  }
0x10c: {  	_ =	swait.ge [sflag:s24], $0x80  }
0x10d: {  	[sflag:s24] =	ssyncset.done $0x0  }
0x10e: {  	[sflag:s24] =	ssyncadd.s32 $0xFFFFFF80  }
0x10f: {  	_ =	swait.ge [sflag:s24], $0x80  }
0x110: {  	[sflag:s24] =	ssyncset.done $0x0  }
0x111: {  	[sflag:s24] =	ssyncadd.s32 $0xFFFFFF80  }
0x112: {  	_ =	swait.ge [sflag:s24], $0x80  }
0x113: {  	[sflag:s24] =	ssyncset.done $0x0  }
0x114: {  	[sflag:s24] =	ssyncadd.s32 $0xFFFFFF80  }
0x115: {  	_ =	swait.ge [sflag:s24], $0x80  }
0x116: {  	[sflag:s24] =	ssyncset.done $0x0  }
0x117: {  	[sflag:s24] =	ssyncadd.s32 $0xFFFFFF80  }
0x118: {  	_ =	swait.ge [sflag:s24], $0x80  }
0x119: {  	[sflag:s24] =	ssyncset.done $0x0  }
0x11a: {  	[sflag:s24] =	ssyncadd.s32 $0xFFFFFF80  }
0x11b: {  	_ =	swait.ge [sflag:s24], $0x80  }
0x11c: {  	[sflag:s24] =	ssyncset.done $0x0  }
0x11d: {  	[sflag:s24] =	ssyncadd.s32 $0xFFFFFF80  }
0x11e: {  	_ =	swait.ge [sflag:s24], $0x80  }
0x11f: {  	[sflag:s24] =	ssyncset.done $0x0  }
0x120: {  	[sflag:s24] =	ssyncadd.s32 $0xFFFFFF80  }
0x121: {  	_ =	swait.ge [sflag:s24], $0x80  }
0x122: {  	[sflag:s24] =	ssyncset.done $0x0  }
0x123: {  	[sflag:s24] =	ssyncadd.s32 $0xFFFFFF80  }
0x124: {  	_ =	swait.ge [sflag:s24], $0x80  }
0x125: {  	[sflag:s24] =	ssyncset.done $0x0  }
0x126: {  	[sflag:s24] =	ssyncadd.s32 $0xFFFFFF80  }
0x127: {  	_ =	swait.ge [sflag:s24], $0x80  }
0x128: {  	[sflag:s24] =	ssyncset.done $0x0  }
0x129: {  	[sflag:s24] =	ssyncadd.s32 $0xFFFFFF80  }
0x12a: {  	_ =	swait.ge [sflag:s24], $0x80  }
0x12b: {  	[sflag:s24] =	ssyncset.done $0x0  }
0x12c: {  	[sflag:s24] =	ssyncadd.s32 $0xFFFFFF80  }
0x12d: {  	_ =	swait.ge [sflag:s24], $0x80  }
0x12e: {  	[sflag:s24] =	ssyncset.done $0x0  }
0x12f: {  	[sflag:s24] =	ssyncadd.s32 $0xFFFFFF80  }
0x130: {  	_ =	swait.ge [sflag:s24], $0x80  }
0x131: {  	[sflag:s24] =	ssyncset.done $0x0  }
0x132: {  	[sflag:s24] =	ssyncadd.s32 $0xFFFFFF80  }
0x133: {  	_ =	swait.ge [sflag:s24], $0x80  }
0x134: {  	[sflag:s24] =	ssyncset.done $0x0  }
0x135: {  	[sflag:s24] =	ssyncadd.s32 $0xFFFFFF80  }
0x136: {  	_ =	swait.ge [sflag:s24], $0x80  }
0x137: {  	p0 =	sne.s32 s1, $0x1;
	[sflag:s24] =	ssyncset.done $0x0  }
.Ltmp1:
0x138: {  	[sflag:s24] =	ssyncadd.s32 $0xFFFFFF80;
	(pc) =	sbr.rel @p0 .LBB2_1-.Ltmp1, $4  }
0x139: {  	_ =	swait.ge [sflag:s24], $0x80  }
0x13a: {  	[sflag:s24] =	ssyncset.done $0x0  }
0x13b: {  	[sflag:s24] =	ssyncadd.s32 $0xFFFFFF80  }
0x13c: {  	s1 =	sadd.s32 $0xFFFFFFFF, s1;
	_ =	swait.ge [sflag:s24], $0x80  }
.LBB2_2:
0x13d: {  	[sflag:s24] =	ssyncset.done $0x0  }
0x13e: {  	[sflag:s24] =	ssyncadd.s32 $0xFFFFFF80  }
0x13f: {  	_ =	swait.ge [sflag:s24], $0x80  }
0x140: {  	[sflag:s24] =	ssyncset.done $0x0  }
0x141: {  	[sflag:s24] =	ssyncadd.s32 $0xFFFFFF80  }
0x142: {  	_ =	swait.ge [sflag:s24], $0x80  }
0x143: {  	[sflag:s24] =	ssyncset.done $0x0  }
0x144: {  	s0 =	rddreg [dreg:$0x3];
	[sflag:s24] =	ssyncadd.s32 $0xFFFFFF80  }
0x145: {  	[hbm4b:s0+s2] =	stream.linear.scatter [tilespmem:s4], [sflag:$0x2], $0xD00, $0x38;
	[tilespmem:$0x1A00] =	vst v63  }
0x146: {  	_ =	swait.ge [sflag:s3], $0xD00  }
0x147: {  	[sflag:s3] =	ssyncset.done $0x0  }
0x148: {  	[sflag:s3] =	ssyncadd.s32 $0xFFFFF300  }
0x149: {  	_ =	sfence.sel $0x180000  }
0x14a: {  	[bflag:$0x0] =	sbarrier.arrive $0xFFFF  }
0x14b: {  	_ =	strace $0x90000047  }
0x14c: {  	s31 =	stileid.u32;
	[bflag:$0x2] =	sbarrier.arrive $0xFFFF  }
0x14d: {  	p0 =	sne.s32 s31, $0x0;
	s0 =	rddreg [dreg:$0x1]  }
0x14e: {  	s0 =	sadd.s32 @!p0 $0x100000, s0  }
0x14f: {  	[sflag:s0] =	ssyncadd.tile.s32 @!p0 $0x1;
	_ =	shalt  }
.Lfunc_end2:
_tile_overlayer_lowered:
.L_overlay_start_2:
0x150: {  	(tag) =	ssettag $0x2  }
0x151: {  	s0 =	rddreg [dreg:$0x0];
	s2 =	stileid.u32  }
0x152: {  	s1 =	rddreg [dreg:$0x1];
	p0 =	sne.s32 s2, $0x0  }
0x153: {  	s3 =	rddreg [dreg:$0x2];
	[bflag:$0x3] =	sbarrier.arrive $0xFFFF;
	s2 =	simm.s32 @!p0 $0x1C02  }
0x154: {  	[timem:s3], [sflag:s2] =	dma.local @!p0 [hbm:s0], s1  }
0x155: {  	s0 =	simm.s32 @!p0 $0x2  }
0x156: {  	_ =	swait.ge @!p0 [sflag:s0], s1  }
0x157: {  	s1 =	ssub.s32 @!p0 $0x0, s1;
	[sflag:s0] =	ssyncset.done @!p0 $0x0  }
0x158: {  	[sflag:s0] =	ssyncadd.s32 @!p0 s1  }
0x159: {  	[bflag:$0x3] =	sbarrier.arrive $0xFFFF  }
0x15a: {  	_ =	shalt  }

</sc_bundles>
